<compile_context>
chip_gen: v7x
topology: tpu7x:2x2x1
jax: 0.10.2.dev20260603
libtpu: 0.0.44.dev20260713+nightly
codegen_flags: <defaults>
</compile_context>

<pallas_src>
import functools

import jax
import jax.numpy as jnp
from jax import lax
from jax.experimental import pallas as pl
from jax.experimental.pallas import tpu as pltpu
from jax.experimental.pallas import tpu_sc as plsc

_N = 10000
_D = 128
_H = 128
_E = 320000
_EPS_BN = 1e-5

_NC = 2
_NS = 16
_NW = _NC * _NS
_EPW = _E // _NW
_CK = 80
_NCHUNK = _EPW // _CK
_NPAD = 10240
_RPT = 640
_RPT_TAIL = _N - 15 * _RPT


def _sc_aggregate(x, src, dst, zrows):
    mesh = plsc.VectorSubcoreMesh(core_axis_name="c", subcore_axis_name="s")

    @functools.partial(
        pl.kernel,
        out_type=(jax.ShapeDtypeStruct((_NC, _N, _D), jnp.float32),
                  jax.ShapeDtypeStruct((_NW, _NPAD), jnp.float32)),
        mesh=mesh,
        compiler_params=pltpu.CompilerParams(needs_layout_passes=False),
        scratch_types=[
            pltpu.VMEM((_CK, _D), jnp.float32),
            pltpu.VMEM((_CK, _D), jnp.float32),
            pltpu.VMEM((_CK,), jnp.int32),
            pltpu.VMEM((_CK,), jnp.int32),
            pltpu.VMEM((_CK,), jnp.int32),
            pltpu.VMEM((_CK,), jnp.int32),
            pltpu.VMEM((_NPAD,), jnp.float32),
            pltpu.VMEM_SHARED((_N, _D), jnp.float32),
            pltpu.SemaphoreType.DMA,
            pltpu.SemaphoreType.DMA,
            pltpu.SemaphoreType.DMA,
            pltpu.SemaphoreType.DMA,
        ],
    )
    def k(x_hbm, src_hbm, dst_hbm, z_hbm, out_hbm, deg_hbm,
          rows0, rows1, srcc0, srcc1, dstc0, dstc1, deg_local, agg_sh,
          gsem0, gsem1, isem0, isem1):
        cid = lax.axis_index("c")
        sid = lax.axis_index("s")
        wid = sid * _NC + cid
        ebase = pl.multiple_of(wid * _EPW, 8)
        rbase = pl.multiple_of(sid * _RPT, 8)

        @pl.when(sid < _NS - 1)
        def _():
            pltpu.sync_copy(z_hbm, agg_sh.at[pl.ds(rbase, _RPT)])

        @pl.when(sid == _NS - 1)
        def _():
            pltpu.sync_copy(z_hbm.at[pl.ds(0, _RPT_TAIL)],
                            agg_sh.at[pl.ds(15 * _RPT, _RPT_TAIL)])

        zvec = jnp.zeros((16,), jnp.float32)

        def zero_body(j, carry):
            deg_local[pl.ds(j * 16, 16)] = zvec
            return carry

        lax.fori_loop(0, _NPAD // 16, zero_body, 0)
        plsc.subcore_barrier()

        rows = (rows0, rows1)
        srcc = (srcc0, srcc1)
        dstc = (dstc0, dstc1)
        gsems = (gsem0, gsem1)
        isems = (isem0, isem1)

        def start_idx(c, b):
            off = pl.multiple_of(ebase + c * _CK, 8)
            pltpu.async_copy(src_hbm.at[pl.ds(off, _CK)], srcc[b], isems[b])
            pltpu.async_copy(dst_hbm.at[pl.ds(off, _CK)], dstc[b], isems[b])

        def wait_idx(b):
            pltpu.make_async_copy(src_hbm.at[pl.ds(0, _CK)], srcc[b],
                                  isems[b]).wait()
            pltpu.make_async_copy(dst_hbm.at[pl.ds(0, _CK)], dstc[b],
                                  isems[b]).wait()

        def start_gather(b):
            pltpu.async_copy(x_hbm.at[srcc[b]], rows[b], gsems[b])

        def wait_gather(b):
            pltpu.make_async_copy(x_hbm.at[pl.ds(0, _CK)], rows[b],
                                  gsems[b]).wait()

        ones16 = jnp.ones((16,), jnp.float32)

        def hist(b):
            for j in range(_CK // 16):
                idx = dstc[b][pl.ds(j * 16, 16)]
                plsc.addupdate_scatter(deg_local, [idx], ones16)

        def scatter(b):
            pltpu.sync_copy(rows[b], agg_sh.at[dstc[b]], add=True)

        start_idx(0, 0)
        wait_idx(0)
        start_gather(0)
        start_idx(1, 1)

        def body(i, carry):
            a = 2 * i
            wait_idx(1)
            start_gather(1)
            hist(0)
            wait_gather(0)
            scatter(0)

            @pl.when(a + 2 < _NCHUNK)
            def _():
                start_idx(a + 2, 0)

            hist(1)

            @pl.when(a + 2 < _NCHUNK)
            def _():
                wait_idx(0)
                start_gather(0)

            wait_gather(1)
            scatter(1)

            @pl.when(a + 3 < _NCHUNK)
            def _():
                start_idx(a + 3, 1)

            return carry

        assert _NCHUNK % 2 == 1
        lax.fori_loop(0, _NCHUNK // 2, body, 0)
        hist(0)
        wait_gather(0)
        scatter(0)

        pltpu.sync_copy(deg_local, deg_hbm.at[wid])
        plsc.subcore_barrier()

        @pl.when(sid < _NS - 1)
        def _():
            pltpu.sync_copy(agg_sh.at[pl.ds(rbase, _RPT)],
                            out_hbm.at[cid, pl.ds(rbase, _RPT)])

        @pl.when(sid == _NS - 1)
        def _():
            pltpu.sync_copy(agg_sh.at[pl.ds(15 * _RPT, _RPT_TAIL)],
                            out_hbm.at[cid, pl.ds(15 * _RPT, _RPT_TAIL)])

    return k(x, src, dst, zrows)


def _tc_body(x_ref, p_ref, dp_ref, wl_ref, bl_ref, wr_ref, g_ref, b_ref,
             o_ref):
    agg = p_ref[0] + p_ref[1]
    deg = jnp.sum(dp_ref[...], axis=0)[:_N]
    agg = agg / jnp.maximum(deg, 1.0)[:, None]
    h = (jnp.dot(agg, wl_ref[...], preferred_element_type=jnp.float32)
         + jnp.dot(x_ref[...], wr_ref[...], preferred_element_type=jnp.float32)
         + bl_ref[...])
    nrm = jnp.sqrt(jnp.sum(h * h, axis=-1, keepdims=True))
    h = h / jnp.maximum(nrm, 1e-12)
    h = jnp.maximum(h, 0.0)
    mean = jnp.mean(h, axis=0, keepdims=True)
    var = jnp.mean((h - mean) ** 2, axis=0, keepdims=True)
    o_ref[...] = (h - mean) * (g_ref[...] * lax.rsqrt(var + _EPS_BN)) + b_ref[...]


def kernel(x, edge_index, adj_norm_sp, W_l, b_l, W_r, gamma, beta):
    del adj_norm_sp
    zrows = jnp.zeros((_RPT, _D), jnp.float32)
    ei = edge_index.astype(jnp.int32)
    parts, deg_parts = _sc_aggregate(x, ei[0], ei[1], zrows)
    return pl.pallas_call(
        _tc_body,
        out_shape=jax.ShapeDtypeStruct((_N, _H), jnp.float32),
    )(x, parts, deg_parts, W_l, b_l.reshape(1, _H), W_r,
      gamma.reshape(1, _H), beta.reshape(1, _H))

# --- scband reference (transcript-rebuilt; emitter-appended) ---
"""Pipeline reference for scband-sage-encoder-10969346474304 (READ-ONLY COPY).

The authoritative reference and input builder live on the scoring server;
editing this copy changes nothing except your own understanding.
"""

import jax, jax.numpy as jnp
import numpy as np

N = 10000
E = 320000
D = 128
H = 128
EPS_BN = 1e-5

def setup_inputs(seed: int = 0) -> dict:
    key = jax.random.key(seed)
    ks = jax.random.split(key, 8)
    x = jax.random.normal(ks[0], (N, D), dtype=jnp.float32)
    edge_index = jax.random.randint(ks[1], (2, E), 0, N)
    adj_norm_sp = jnp.zeros((1,), dtype=jnp.float32)
    # SAGEConv params: lin_l (applied to aggregated neighbors, with bias), lin_r (root, no bias)
    W_l = jax.random.normal(ks[2], (D, H), dtype=jnp.float32) * (1.0 / np.sqrt(D))
    b_l = jnp.zeros((H,), dtype=jnp.float32)
    W_r = jax.random.normal(ks[3], (D, H), dtype=jnp.float32) * (1.0 / np.sqrt(D))
    # BatchNorm1d affine params
    gamma = jnp.ones((H,), dtype=jnp.float32)
    beta = jnp.zeros((H,), dtype=jnp.float32)
    return {"x": x, "edge_index": edge_index, "adj_norm_sp": adj_norm_sp,
            "W_l": W_l, "b_l": b_l, "W_r": W_r, "gamma": gamma, "beta": beta}


def reference(x, edge_index, adj_norm_sp, W_l, b_l, W_r, gamma, beta):
    # SAGEConv(aggr='mean', normalize=True):
    src = edge_index[0]
    dst = edge_index[1]
    msg = jnp.take(x, src, axis=0)                     # gather x_j
    agg = jax.ops.segment_sum(msg, dst, num_segments=N)  # scatter-add to dst
    deg = jax.ops.segment_sum(jnp.ones((E,), dtype=x.dtype), dst, num_segments=N)
    agg = agg / jnp.maximum(deg, 1.0)[:, None]         # mean aggregation
    h = agg @ W_l + b_l + x @ W_r                      # lin_l(agg) + lin_r(x)
    nrm = jnp.sqrt(jnp.sum(h * h, axis=-1, keepdims=True))
    h = h / jnp.maximum(nrm, 1e-12)                    # F.normalize(h, p=2, dim=-1)
    # transition: ReLU -> BatchNorm1d (batch stats) -> Dropout (identity/eval)
    h = jax.nn.relu(h)
    mean = jnp.mean(h, axis=0)
    var = jnp.var(h, axis=0)
    h = (h - mean) / jnp.sqrt(var + EPS_BN) * gamma + beta
    return h

if __name__ == "__main__":
    import jax
    _d = setup_inputs()
    print(jax.jit(kernel)(*tuple(_d.values())))

</pallas_src>

<mosaic_0001>
#map = affine_map<(d0, d1) -> (0, 0)>
#map1 = affine_map<(d0, d1) -> (0)>
#map2 = affine_map<(d0, d1) -> (0, 0, 0)>
module attributes {stable_mosaic.version = 14 : i64} {
  func.func @k(%arg0: i32, %arg1: i32, %arg2: memref<10000x128xf32, #tpu.memory_space<hbm>>, %arg3: memref<320000xi32, #tpu.memory_space<hbm>>, %arg4: memref<320000xi32, #tpu.memory_space<hbm>>, %arg5: memref<640x128xf32, #tpu.memory_space<hbm>>, %arg6: memref<2x10000x128xf32, #tpu.memory_space<hbm>>, %arg7: memref<32x10240xf32, #tpu.memory_space<hbm>>, %arg8: memref<80x128xf32, #tpu.memory_space<vmem>>, %arg9: memref<80x128xf32, #tpu.memory_space<vmem>>, %arg10: memref<80xi32, #tpu.memory_space<vmem>>, %arg11: memref<80xi32, #tpu.memory_space<vmem>>, %arg12: memref<80xi32, #tpu.memory_space<vmem>>, %arg13: memref<80xi32, #tpu.memory_space<vmem>>, %arg14: memref<10240xf32, #tpu.memory_space<vmem>>, %arg15: memref<10000x128xf32, #tpu.memory_space<vmem_shared>>, %arg16: memref<!tpu.dma_semaphore, #tpu.memory_space<semaphore_mem>>, %arg17: memref<!tpu.dma_semaphore, #tpu.memory_space<semaphore_mem>>, %arg18: memref<!tpu.dma_semaphore, #tpu.memory_space<semaphore_mem>>, %arg19: memref<!tpu.dma_semaphore, #tpu.memory_space<semaphore_mem>>) attributes {dimension_semantics = [#tpu.dimension_semantics<core_parallel>, #tpu.dimension_semantics<subcore_parallel>], iteration_bounds = array<i64: 2, 16>, scalar_prefetch = 0 : i64, scratch_operands = 12 : i64, tpu.core_type = #tpu.core_type<sc_vector_subcore>, window_params = [{transform_indices = #map}, {transform_indices = #map1}, {transform_indices = #map1}, {transform_indices = #map}, {transform_indices = #map2}, {transform_indices = #map}]} {
    %mul3A = arith.constant 2 : i32
    %mul3A_0 = arith.muli %arg1, %mul3A : i32
    %add3A = arith.addi %mul3A_0, %arg0 : i32
    %mul3A_1 = arith.constant 10000 : i32
    %mul3A_2 = arith.muli %add3A, %mul3A_1 : i32
    %multiple_of3A = tpu.assume_multiple %mul3A_2, 8 : i32
    %mul3A_3 = arith.constant 640 : i32
    %mul3A_4 = arith.muli %arg1, %mul3A_3 : i32
    %multiple_of3A_5 = tpu.assume_multiple %mul3A_4, 8 : i32
    %lt3A = arith.constant 15 : i32
    %lt3A_6 = arith.cmpi slt, %arg1, %lt3A : i32
    %convert_element_type3A = arith.extui %lt3A_6 : i1 to i32
    %cond3A = arith.constant 0 : i32
    %cond3A_7 = arith.cmpi ne, %convert_element_type3A, %cond3A : i32
    scf.if %cond3A_7 {
      "tpu.region"() ({
        %run_scoped3A = tpu.sem_alloc : memref<!tpu.dma_semaphore, #tpu.memory_space<semaphore_mem>>
        %dma_start3A_75 = arith.constant 0 : i32
        %dma_start3A_76 = tpu.memref_slice %arg15[%multiple_of3A_5, %dma_start3A_75] : memref<10000x128xf32, #tpu.memory_space<vmem_shared>> -> memref<640x128xf32, #tpu.memory_space<vmem_shared>>
        tpu.enqueue_dma source(%arg5 : memref<640x128xf32, #tpu.memory_space<hbm>>) target(%dma_start3A_76 : memref<640x128xf32, #tpu.memory_space<vmem_shared>>) target_semaphore(%run_scoped3A : memref<!tpu.dma_semaphore, #tpu.memory_space<semaphore_mem>>)
        %dma_wait3A_77 = arith.constant 0 : i32
        %dma_wait3A_78 = tpu.memref_slice %arg15[%multiple_of3A_5, %dma_wait3A_77] : memref<10000x128xf32, #tpu.memory_space<vmem_shared>> -> memref<640x128xf32, #tpu.memory_space<vmem_shared>>
        tpu.wait_dma2 semaphore(%run_scoped3A : memref<!tpu.dma_semaphore, #tpu.memory_space<semaphore_mem>>) src(%arg5 : memref<640x128xf32, #tpu.memory_space<hbm>>) dst(%dma_wait3A_78 : memref<640x128xf32, #tpu.memory_space<vmem_shared>>)
        tpu.yield
      }) : () -> ()
    } else {
    }
    %eq3A = arith.constant 15 : i32
    %eq3A_8 = arith.cmpi eq, %arg1, %eq3A : i32
    %convert_element_type3A_9 = arith.extui %eq3A_8 : i1 to i32
    %cond3A_10 = arith.constant 0 : i32
    %cond3A_11 = arith.cmpi ne, %convert_element_type3A_9, %cond3A_10 : i32
    scf.if %cond3A_11 {
      "tpu.region"() ({
        %run_scoped3A = tpu.sem_alloc : memref<!tpu.dma_semaphore, #tpu.memory_space<semaphore_mem>>
        %dma_start3A_75 = arith.constant 9600 : i32
        %dma_start3A_76 = arith.constant 0 : i32
        %dma_start3A_77 = tpu.memref_slice %arg15[%dma_start3A_75, %dma_start3A_76] : memref<10000x128xf32, #tpu.memory_space<vmem_shared>> -> memref<400x128xf32, #tpu.memory_space<vmem_shared>>
        %dma_start3A_78 = arith.constant 0 : i32
        %dma_start3A_79 = arith.constant 0 : i32
        %dma_start3A_80 = tpu.memref_slice %arg5[%dma_start3A_78, %dma_start3A_79] : memref<640x128xf32, #tpu.memory_space<hbm>> -> memref<400x128xf32, #tpu.memory_space<hbm>>
        tpu.enqueue_dma source(%dma_start3A_80 : memref<400x128xf32, #tpu.memory_space<hbm>>) target(%dma_start3A_77 : memref<400x128xf32, #tpu.memory_space<vmem_shared>>) target_semaphore(%run_scoped3A : memref<!tpu.dma_semaphore, #tpu.memory_space<semaphore_mem>>)
        %dma_wait3A_81 = arith.constant 9600 : i32
        %dma_wait3A_82 = arith.constant 0 : i32
        %dma_wait3A_83 = tpu.memref_slice %arg15[%dma_wait3A_81, %dma_wait3A_82] : memref<10000x128xf32, #tpu.memory_space<vmem_shared>> -> memref<400x128xf32, #tpu.memory_space<vmem_shared>>
        %dma_wait3A_84 = arith.constant 0 : i32
        %dma_wait3A_85 = arith.constant 0 : i32
        %dma_wait3A_86 = tpu.memref_slice %arg5[%dma_wait3A_84, %dma_wait3A_85] : memref<640x128xf32, #tpu.memory_space<hbm>> -> memref<400x128xf32, #tpu.memory_space<hbm>>
        tpu.wait_dma2 semaphore(%run_scoped3A : memref<!tpu.dma_semaphore, #tpu.memory_space<semaphore_mem>>) src(%dma_wait3A_86 : memref<400x128xf32, #tpu.memory_space<hbm>>) dst(%dma_wait3A_83 : memref<400x128xf32, #tpu.memory_space<vmem_shared>>)
        tpu.yield
      }) : () -> ()
    } else {
    }
    %broadcast_in_dim3A = arith.constant 0.000000e+00 : f32
    %broadcast_in_dim3A_12 = vector.broadcast %broadcast_in_dim3A : f32 to vector<16xf32>
    %scan3A = arith.constant 0 : i32
    %scan3A_13 = arith.constant 0 : i32
    %scan3A_14 = arith.constant 640 : i32
    %scan3A_15 = arith.addi %scan3A_13, %scan3A_14 : i32
    %scan3A_16 = arith.constant 1 : i32
    scf.for %scan3A_75 = %scan3A_13 to %scan3A_15 step %scan3A_16  : i32 {
      %mul3A_76 = arith.constant 16 : i32
      %mul3A_77 = arith.muli %scan3A_75, %mul3A_76 : i32
      %swap3A = arith.index_cast %mul3A_77 : i32 to index
      %swap3A_78 = tpu.vector_load %arg14[%swap3A] {strides = array<i32>} : memref<10240xf32, #tpu.memory_space<vmem>>, vector<16xf32>,
      tpu.vector_store %arg14[%swap3A], %broadcast_in_dim3A_12 {strides = array<i32>} : memref<10240xf32, #tpu.memory_space<vmem>>, vector<16xf32>,
    }
    %scan3A_17 = arith.constant 640 : i32
    %barrier3A = arith.constant 0 : index
    tpu.barrier barrier_id(%barrier3A)
    %broadcast_in_dim3A_18 = arith.constant 1.000000e+00 : f32
    %broadcast_in_dim3A_19 = vector.broadcast %broadcast_in_dim3A_18 : f32 to vector<16xf32>
    %add3A_20 = arith.constant 0 : i32
    %add3A_21 = arith.addi %multiple_of3A, %add3A_20 : i32
    %multiple_of3A_22 = tpu.assume_multiple %add3A_21, 8 : i32
    %dma_start3A = tpu.memref_slice %arg3[%multiple_of3A_22] : memref<320000xi32, #tpu.memory_space<hbm>> -> memref<80xi32, #tpu.memory_space<hbm>>
    %dma_start3A_23 = tpu.memref_slice %arg3[%multiple_of3A_22] : memref<320000xi32, #tpu.memory_space<hbm>> -> memref<80xi32, #tpu.memory_space<hbm>>
    tpu.enqueue_dma source(%dma_start3A_23 : memref<80xi32, #tpu.memory_space<hbm>>) target(%arg10 : memref<80xi32, #tpu.memory_space<vmem>>) target_semaphore(%arg18 : memref<!tpu.dma_semaphore, #tpu.memory_space<semaphore_mem>>)
    %dma_start3A_24 = tpu.memref_slice %arg4[%multiple_of3A_22] : memref<320000xi32, #tpu.memory_space<hbm>> -> memref<80xi32, #tpu.memory_space<hbm>>
    %dma_start3A_25 = tpu.memref_slice %arg4[%multiple_of3A_22] : memref<320000xi32, #tpu.memory_space<hbm>> -> memref<80xi32, #tpu.memory_space<hbm>>
    tpu.enqueue_dma source(%dma_start3A_25 : memref<80xi32, #tpu.memory_space<hbm>>) target(%arg12 : memref<80xi32, #tpu.memory_space<vmem>>) target_semaphore(%arg18 : memref<!tpu.dma_semaphore, #tpu.memory_space<semaphore_mem>>)
    %dma_wait3A = arith.constant 0 : i32
    %dma_wait3A_26 = tpu.memref_slice %arg3[%dma_wait3A] : memref<320000xi32, #tpu.memory_space<hbm>> -> memref<80xi32, #tpu.memory_space<hbm>>
    %dma_wait3A_27 = arith.constant 0 : i32
    %dma_wait3A_28 = tpu.memref_slice %arg3[%dma_wait3A_27] : memref<320000xi32, #tpu.memory_space<hbm>> -> memref<80xi32, #tpu.memory_space<hbm>>
    tpu.wait_dma2 semaphore(%arg18 : memref<!tpu.dma_semaphore, #tpu.memory_space<semaphore_mem>>) src(%dma_wait3A_28 : memref<80xi32, #tpu.memory_space<hbm>>) dst(%arg10 : memref<80xi32, #tpu.memory_space<vmem>>)
    %dma_wait3A_29 = arith.constant 0 : i32
    %dma_wait3A_30 = tpu.memref_slice %arg4[%dma_wait3A_29] : memref<320000xi32, #tpu.memory_space<hbm>> -> memref<80xi32, #tpu.memory_space<hbm>>
    %dma_wait3A_31 = arith.constant 0 : i32
    %dma_wait3A_32 = tpu.memref_slice %arg4[%dma_wait3A_31] : memref<320000xi32, #tpu.memory_space<hbm>> -> memref<80xi32, #tpu.memory_space<hbm>>
    tpu.wait_dma2 semaphore(%arg18 : memref<!tpu.dma_semaphore, #tpu.memory_space<semaphore_mem>>) src(%dma_wait3A_32 : memref<80xi32, #tpu.memory_space<hbm>>) dst(%arg12 : memref<80xi32, #tpu.memory_space<vmem>>)
    %dma_start3A_33 = arith.constant 0 : i32
    %dma_start3A_34 = arith.constant 0 : i32
    %dma_start3A_35 = tpu.memref_slice %arg2[%dma_start3A_33, %dma_start3A_34] : memref<10000x128xf32, #tpu.memory_space<hbm>> -> memref<10000x128xf32, #tpu.memory_space<hbm>>
    tpu.enqueue_indirect_dma source(%dma_start3A_35 : memref<10000x128xf32, #tpu.memory_space<hbm>>) target(%arg8 : memref<80x128xf32, #tpu.memory_space<vmem>>) offsets(%arg10 : memref<80xi32, #tpu.memory_space<vmem>>) semaphore(%arg16 : memref<!tpu.dma_semaphore, #tpu.memory_space<semaphore_mem>>)
    %add3A_36 = arith.constant 80 : i32
    %add3A_37 = arith.addi %multiple_of3A, %add3A_36 : i32
    %multiple_of3A_38 = tpu.assume_multiple %add3A_37, 8 : i32
    %dma_start3A_39 = tpu.memref_slice %arg3[%multiple_of3A_38] : memref<320000xi32, #tpu.memory_space<hbm>> -> memref<80xi32, #tpu.memory_space<hbm>>
    %dma_start3A_40 = tpu.memref_slice %arg3[%multiple_of3A_38] : memref<320000xi32, #tpu.memory_space<hbm>> -> memref<80xi32, #tpu.memory_space<hbm>>
    tpu.enqueue_dma source(%dma_start3A_40 : memref<80xi32, #tpu.memory_space<hbm>>) target(%arg11 : memref<80xi32, #tpu.memory_space<vmem>>) target_semaphore(%arg19 : memref<!tpu.dma_semaphore, #tpu.memory_space<semaphore_mem>>)
    %dma_start3A_41 = tpu.memref_slice %arg4[%multiple_of3A_38] : memref<320000xi32, #tpu.memory_space<hbm>> -> memref<80xi32, #tpu.memory_space<hbm>>
    %dma_start3A_42 = tpu.memref_slice %arg4[%multiple_of3A_38] : memref<320000xi32, #tpu.memory_space<hbm>> -> memref<80xi32, #tpu.memory_space<hbm>>
    tpu.enqueue_dma source(%dma_start3A_42 : memref<80xi32, #tpu.memory_space<hbm>>) target(%arg13 : memref<80xi32, #tpu.memory_space<vmem>>) target_semaphore(%arg19 : memref<!tpu.dma_semaphore, #tpu.memory_space<semaphore_mem>>)
    %scan3A_43 = arith.constant 0 : i32
    %scan3A_44 = arith.constant 0 : i32
    %scan3A_45 = arith.constant 62 : i32
    %scan3A_46 = arith.addi %scan3A_44, %scan3A_45 : i32
    %scan3A_47 = arith.constant 1 : i32
    scf.for %scan3A_75 = %scan3A_44 to %scan3A_46 step %scan3A_47  : i32 {
      %mul3A_76 = arith.constant 2 : i32
      %mul3A_77 = arith.muli %mul3A_76, %scan3A_75 : i32
      %dma_wait3A_78 = arith.constant 0 : i32
      %dma_wait3A_79 = tpu.memref_slice %arg3[%dma_wait3A_78] : memref<320000xi32, #tpu.memory_space<hbm>> -> memref<80xi32, #tpu.memory_space<hbm>>
      %dma_wait3A_80 = arith.constant 0 : i32
      %dma_wait3A_81 = tpu.memref_slice %arg3[%dma_wait3A_80] : memref<320000xi32, #tpu.memory_space<hbm>> -> memref<80xi32, #tpu.memory_space<hbm>>
      tpu.wait_dma2 semaphore(%arg19 : memref<!tpu.dma_semaphore, #tpu.memory_space<semaphore_mem>>) src(%dma_wait3A_81 : memref<80xi32, #tpu.memory_space<hbm>>) dst(%arg11 : memref<80xi32, #tpu.memory_space<vmem>>)
      %dma_wait3A_82 = arith.constant 0 : i32
      %dma_wait3A_83 = tpu.memref_slice %arg4[%dma_wait3A_82] : memref<320000xi32, #tpu.memory_space<hbm>> -> memref<80xi32, #tpu.memory_space<hbm>>
      %dma_wait3A_84 = arith.constant 0 : i32
      %dma_wait3A_85 = tpu.memref_slice %arg4[%dma_wait3A_84] : memref<320000xi32, #tpu.memory_space<hbm>> -> memref<80xi32, #tpu.memory_space<hbm>>
      tpu.wait_dma2 semaphore(%arg19 : memref<!tpu.dma_semaphore, #tpu.memory_space<semaphore_mem>>) src(%dma_wait3A_85 : memref<80xi32, #tpu.memory_space<hbm>>) dst(%arg13 : memref<80xi32, #tpu.memory_space<vmem>>)
      %dma_start3A_86 = arith.constant 0 : i32
      %dma_start3A_87 = arith.constant 0 : i32
      %dma_start3A_88 = tpu.memref_slice %arg2[%dma_start3A_86, %dma_start3A_87] : memref<10000x128xf32, #tpu.memory_space<hbm>> -> memref<10000x128xf32, #tpu.memory_space<hbm>>
      tpu.enqueue_indirect_dma source(%dma_start3A_88 : memref<10000x128xf32, #tpu.memory_space<hbm>>) target(%arg9 : memref<80x128xf32, #tpu.memory_space<vmem>>) offsets(%arg11 : memref<80xi32, #tpu.memory_space<vmem>>) semaphore(%arg17 : memref<!tpu.dma_semaphore, #tpu.memory_space<semaphore_mem>>)
      %get3A_89 = arith.constant 0 : index
      %get3A_90 = tpu.vector_load %arg12[%get3A_89] {strides = array<i32>} : memref<80xi32, #tpu.memory_space<vmem>>, vector<16xi32>,
      tpu.vector_store_idx %arg14[%get3A_90], %broadcast_in_dim3A_19 {add = true} : memref<10240xf32, #tpu.memory_space<vmem>>[vector<16xi32>], vector<16xf32>,
      %get3A_91 = arith.constant 16 : index
      %get3A_92 = tpu.vector_load %arg12[%get3A_91] {strides = array<i32>} : memref<80xi32, #tpu.memory_space<vmem>>, vector<16xi32>,
      tpu.vector_store_idx %arg14[%get3A_92], %broadcast_in_dim3A_19 {add = true} : memref<10240xf32, #tpu.memory_space<vmem>>[vector<16xi32>], vector<16xf32>,
      %get3A_93 = arith.constant 32 : index
      %get3A_94 = tpu.vector_load %arg12[%get3A_93] {strides = array<i32>} : memref<80xi32, #tpu.memory_space<vmem>>, vector<16xi32>,
      tpu.vector_store_idx %arg14[%get3A_94], %broadcast_in_dim3A_19 {add = true} : memref<10240xf32, #tpu.memory_space<vmem>>[vector<16xi32>], vector<16xf32>,
      %get3A_95 = arith.constant 48 : index
      %get3A_96 = tpu.vector_load %arg12[%get3A_95] {strides = array<i32>} : memref<80xi32, #tpu.memory_space<vmem>>, vector<16xi32>,
      tpu.vector_store_idx %arg14[%get3A_96], %broadcast_in_dim3A_19 {add = true} : memref<10240xf32, #tpu.memory_space<vmem>>[vector<16xi32>], vector<16xf32>,
      %get3A_97 = arith.constant 64 : index
      %get3A_98 = tpu.vector_load %arg12[%get3A_97] {strides = array<i32>} : memref<80xi32, #tpu.memory_space<vmem>>, vector<16xi32>,
      tpu.vector_store_idx %arg14[%get3A_98], %broadcast_in_dim3A_19 {add = true} : memref<10240xf32, #tpu.memory_space<vmem>>[vector<16xi32>], vector<16xf32>,
      %dma_wait3A_99 = arith.constant 0 : i32
      %dma_wait3A_100 = arith.constant 0 : i32
      %dma_wait3A_101 = tpu.memref_slice %arg2[%dma_wait3A_99, %dma_wait3A_100] : memref<10000x128xf32, #tpu.memory_space<hbm>> -> memref<80x128xf32, #tpu.memory_space<hbm>>
      %dma_wait3A_102 = arith.constant 0 : i32
      %dma_wait3A_103 = arith.constant 0 : i32
      %dma_wait3A_104 = tpu.memref_slice %arg2[%dma_wait3A_102, %dma_wait3A_103] : memref<10000x128xf32, #tpu.memory_space<hbm>> -> memref<80x128xf32, #tpu.memory_space<hbm>>
      tpu.wait_dma2 semaphore(%arg16 : memref<!tpu.dma_semaphore, #tpu.memory_space<semaphore_mem>>) src(%dma_wait3A_104 : memref<80x128xf32, #tpu.memory_space<hbm>>) dst(%arg8 : memref<80x128xf32, #tpu.memory_space<vmem>>)
      "tpu.region"() ({
        %run_scoped3A = tpu.sem_alloc : memref<!tpu.dma_semaphore, #tpu.memory_space<semaphore_mem>>
        %dma_start3A_142 = arith.constant 0 : i32
        %dma_start3A_143 = arith.constant 0 : i32
        %dma_start3A_144 = tpu.memref_slice %arg15[%dma_start3A_142, %dma_start3A_143] : memref<10000x128xf32, #tpu.memory_space<vmem_shared>> -> memref<10000x128xf32, #tpu.memory_space<vmem_shared>>
        tpu.enqueue_indirect_dma source(%arg8 : memref<80x128xf32, #tpu.memory_space<vmem>>) target(%dma_start3A_144 : memref<10000x128xf32, #tpu.memory_space<vmem_shared>>) offsets(%arg12 : memref<80xi32, #tpu.memory_space<vmem>>) semaphore(%run_scoped3A : memref<!tpu.dma_semaphore, #tpu.memory_space<semaphore_mem>>) {add = true}
        %dma_wait3A_145 = arith.constant 0 : i32
        %dma_wait3A_146 = arith.constant 0 : i32
        %dma_wait3A_147 = tpu.memref_slice %arg15[%dma_wait3A_145, %dma_wait3A_146] : memref<10000x128xf32, #tpu.memory_space<vmem_shared>> -> memref<10000x128xf32, #tpu.memory_space<vmem_shared>>
        tpu.wait_indirect_dma semaphore(%run_scoped3A : memref<!tpu.dma_semaphore, #tpu.memory_space<semaphore_mem>>) src(%arg8 : memref<80x128xf32, #tpu.memory_space<vmem>>) dst(%dma_wait3A_147 : memref<10000x128xf32, #tpu.memory_space<vmem_shared>>)
        tpu.yield
      }) : () -> ()
      %add3A_105 = arith.constant 2 : i32
      %add3A_106 = arith.addi %mul3A_77, %add3A_105 : i32
      %lt3A_107 = arith.constant 125 : i32
      %lt3A_108 = arith.cmpi slt, %add3A_106, %lt3A_107 : i32
      %convert_element_type3A_109 = arith.extui %lt3A_108 : i1 to i32
      %cond3A_110 = arith.constant 0 : i32
      %cond3A_111 = arith.cmpi ne, %convert_element_type3A_109, %cond3A_110 : i32
      scf.if %cond3A_111 {
        %add3A_142 = arith.constant 2 : i32
        %add3A_143 = arith.addi %mul3A_77, %add3A_142 : i32
        %mul3A_144 = arith.constant 80 : i32
        %mul3A_145 = arith.muli %add3A_143, %mul3A_144 : i32
        %add3A_146 = arith.addi %multiple_of3A, %mul3A_145 : i32
        %multiple_of3A_147 = tpu.assume_multiple %add3A_146, 8 : i32
        %dma_start3A_148 = tpu.memref_slice %arg3[%multiple_of3A_147] : memref<320000xi32, #tpu.memory_space<hbm>> -> memref<80xi32, #tpu.memory_space<hbm>>
        %dma_start3A_149 = tpu.memref_slice %arg3[%multiple_of3A_147] : memref<320000xi32, #tpu.memory_space<hbm>> -> memref<80xi32, #tpu.memory_space<hbm>>
        tpu.enqueue_dma source(%dma_start3A_149 : memref<80xi32, #tpu.memory_space<hbm>>) target(%arg10 : memref<80xi32, #tpu.memory_space<vmem>>) target_semaphore(%arg18 : memref<!tpu.dma_semaphore, #tpu.memory_space<semaphore_mem>>)
        %dma_start3A_150 = tpu.memref_slice %arg4[%multiple_of3A_147] : memref<320000xi32, #tpu.memory_space<hbm>> -> memref<80xi32, #tpu.memory_space<hbm>>
        %dma_start3A_151 = tpu.memref_slice %arg4[%multiple_of3A_147] : memref<320000xi32, #tpu.memory_space<hbm>> -> memref<80xi32, #tpu.memory_space<hbm>>
        tpu.enqueue_dma source(%dma_start3A_151 : memref<80xi32, #tpu.memory_space<hbm>>) target(%arg12 : memref<80xi32, #tpu.memory_space<vmem>>) target_semaphore(%arg18 : memref<!tpu.dma_semaphore, #tpu.memory_space<semaphore_mem>>)
      } else {
      }
      %get3A_112 = arith.constant 0 : index
      %get3A_113 = tpu.vector_load %arg13[%get3A_112] {strides = array<i32>} : memref<80xi32, #tpu.memory_space<vmem>>, vector<16xi32>,
      tpu.vector_store_idx %arg14[%get3A_113], %broadcast_in_dim3A_19 {add = true} : memref<10240xf32, #tpu.memory_space<vmem>>[vector<16xi32>], vector<16xf32>,
      %get3A_114 = arith.constant 16 : index
      %get3A_115 = tpu.vector_load %arg13[%get3A_114] {strides = array<i32>} : memref<80xi32, #tpu.memory_space<vmem>>, vector<16xi32>,
      tpu.vector_store_idx %arg14[%get3A_115], %broadcast_in_dim3A_19 {add = true} : memref<10240xf32, #tpu.memory_space<vmem>>[vector<16xi32>], vector<16xf32>,
      %get3A_116 = arith.constant 32 : index
      %get3A_117 = tpu.vector_load %arg13[%get3A_116] {strides = array<i32>} : memref<80xi32, #tpu.memory_space<vmem>>, vector<16xi32>,
      tpu.vector_store_idx %arg14[%get3A_117], %broadcast_in_dim3A_19 {add = true} : memref<10240xf32, #tpu.memory_space<vmem>>[vector<16xi32>], vector<16xf32>,
      %get3A_118 = arith.constant 48 : index
      %get3A_119 = tpu.vector_load %arg13[%get3A_118] {strides = array<i32>} : memref<80xi32, #tpu.memory_space<vmem>>, vector<16xi32>,
      tpu.vector_store_idx %arg14[%get3A_119], %broadcast_in_dim3A_19 {add = true} : memref<10240xf32, #tpu.memory_space<vmem>>[vector<16xi32>], vector<16xf32>,
      %get3A_120 = arith.constant 64 : index
      %get3A_121 = tpu.vector_load %arg13[%get3A_120] {strides = array<i32>} : memref<80xi32, #tpu.memory_space<vmem>>, vector<16xi32>,
      tpu.vector_store_idx %arg14[%get3A_121], %broadcast_in_dim3A_19 {add = true} : memref<10240xf32, #tpu.memory_space<vmem>>[vector<16xi32>], vector<16xf32>,
      %add3A_122 = arith.constant 2 : i32
      %add3A_123 = arith.addi %mul3A_77, %add3A_122 : i32
      %lt3A_124 = arith.constant 125 : i32
      %lt3A_125 = arith.cmpi slt, %add3A_123, %lt3A_124 : i32
      %convert_element_type3A_126 = arith.extui %lt3A_125 : i1 to i32
      %cond3A_127 = arith.constant 0 : i32
      %cond3A_128 = arith.cmpi ne, %convert_element_type3A_126, %cond3A_127 : i32
      scf.if %cond3A_128 {
        %dma_wait3A_142 = arith.constant 0 : i32
        %dma_wait3A_143 = tpu.memref_slice %arg3[%dma_wait3A_142] : memref<320000xi32, #tpu.memory_space<hbm>> -> memref<80xi32, #tpu.memory_space<hbm>>
        %dma_wait3A_144 = arith.constant 0 : i32
        %dma_wait3A_145 = tpu.memref_slice %arg3[%dma_wait3A_144] : memref<320000xi32, #tpu.memory_space<hbm>> -> memref<80xi32, #tpu.memory_space<hbm>>
        tpu.wait_dma2 semaphore(%arg18 : memref<!tpu.dma_semaphore, #tpu.memory_space<semaphore_mem>>) src(%dma_wait3A_145 : memref<80xi32, #tpu.memory_space<hbm>>) dst(%arg10 : memref<80xi32, #tpu.memory_space<vmem>>)
        %dma_wait3A_146 = arith.constant 0 : i32
        %dma_wait3A_147 = tpu.memref_slice %arg4[%dma_wait3A_146] : memref<320000xi32, #tpu.memory_space<hbm>> -> memref<80xi32, #tpu.memory_space<hbm>>
        %dma_wait3A_148 = arith.constant 0 : i32
        %dma_wait3A_149 = tpu.memref_slice %arg4[%dma_wait3A_148] : memref<320000xi32, #tpu.memory_space<hbm>> -> memref<80xi32, #tpu.memory_space<hbm>>
        tpu.wait_dma2 semaphore(%arg18 : memref<!tpu.dma_semaphore, #tpu.memory_space<semaphore_mem>>) src(%dma_wait3A_149 : memref<80xi32, #tpu.memory_space<hbm>>) dst(%arg12 : memref<80xi32, #tpu.memory_space<vmem>>)
        %dma_start3A_150 = arith.constant 0 : i32
        %dma_start3A_151 = arith.constant 0 : i32
        %dma_start3A_152 = tpu.memref_slice %arg2[%dma_start3A_150, %dma_start3A_151] : memref<10000x128xf32, #tpu.memory_space<hbm>> -> memref<10000x128xf32, #tpu.memory_space<hbm>>
        tpu.enqueue_indirect_dma source(%dma_start3A_152 : memref<10000x128xf32, #tpu.memory_space<hbm>>) target(%arg8 : memref<80x128xf32, #tpu.memory_space<vmem>>) offsets(%arg10 : memref<80xi32, #tpu.memory_space<vmem>>) semaphore(%arg16 : memref<!tpu.dma_semaphore, #tpu.memory_space<semaphore_mem>>)
      } else {
      }
      %dma_wait3A_129 = arith.constant 0 : i32
      %dma_wait3A_130 = arith.constant 0 : i32
      %dma_wait3A_131 = tpu.memref_slice %arg2[%dma_wait3A_129, %dma_wait3A_130] : memref<10000x128xf32, #tpu.memory_space<hbm>> -> memref<80x128xf32, #tpu.memory_space<hbm>>
      %dma_wait3A_132 = arith.constant 0 : i32
      %dma_wait3A_133 = arith.constant 0 : i32
      %dma_wait3A_134 = tpu.memref_slice %arg2[%dma_wait3A_132, %dma_wait3A_133] : memref<10000x128xf32, #tpu.memory_space<hbm>> -> memref<80x128xf32, #tpu.memory_space<hbm>>
      tpu.wait_dma2 semaphore(%arg17 : memref<!tpu.dma_semaphore, #tpu.memory_space<semaphore_mem>>) src(%dma_wait3A_134 : memref<80x128xf32, #tpu.memory_space<hbm>>) dst(%arg9 : memref<80x128xf32, #tpu.memory_space<vmem>>)
      "tpu.region"() ({
        %run_scoped3A = tpu.sem_alloc : memref<!tpu.dma_semaphore, #tpu.memory_space<semaphore_mem>>
        %dma_start3A_142 = arith.constant 0 : i32
        %dma_start3A_143 = arith.constant 0 : i32
        %dma_start3A_144 = tpu.memref_slice %arg15[%dma_start3A_142, %dma_start3A_143] : memref<10000x128xf32, #tpu.memory_space<vmem_shared>> -> memref<10000x128xf32, #tpu.memory_space<vmem_shared>>
        tpu.enqueue_indirect_dma source(%arg9 : memref<80x128xf32, #tpu.memory_space<vmem>>) target(%dma_start3A_144 : memref<10000x128xf32, #tpu.memory_space<vmem_shared>>) offsets(%arg13 : memref<80xi32, #tpu.memory_space<vmem>>) semaphore(%run_scoped3A : memref<!tpu.dma_semaphore, #tpu.memory_space<semaphore_mem>>) {add = true}
        %dma_wait3A_145 = arith.constant 0 : i32
        %dma_wait3A_146 = arith.constant 0 : i32
        %dma_wait3A_147 = tpu.memref_slice %arg15[%dma_wait3A_145, %dma_wait3A_146] : memref<10000x128xf32, #tpu.memory_space<vmem_shared>> -> memref<10000x128xf32, #tpu.memory_space<vmem_shared>>
        tpu.wait_indirect_dma semaphore(%run_scoped3A : memref<!tpu.dma_semaphore, #tpu.memory_space<semaphore_mem>>) src(%arg9 : memref<80x128xf32, #tpu.memory_space<vmem>>) dst(%dma_wait3A_147 : memref<10000x128xf32, #tpu.memory_space<vmem_shared>>)
        tpu.yield
      }) : () -> ()
      %add3A_135 = arith.constant 3 : i32
      %add3A_136 = arith.addi %mul3A_77, %add3A_135 : i32
      %lt3A_137 = arith.constant 125 : i32
      %lt3A_138 = arith.cmpi slt, %add3A_136, %lt3A_137 : i32
      %convert_element_type3A_139 = arith.extui %lt3A_138 : i1 to i32
      %cond3A_140 = arith.constant 0 : i32
      %cond3A_141 = arith.cmpi ne, %convert_element_type3A_139, %cond3A_140 : i32
      scf.if %cond3A_141 {
        %add3A_142 = arith.constant 3 : i32
        %add3A_143 = arith.addi %mul3A_77, %add3A_142 : i32
        %mul3A_144 = arith.constant 80 : i32
        %mul3A_145 = arith.muli %add3A_143, %mul3A_144 : i32
        %add3A_146 = arith.addi %multiple_of3A, %mul3A_145 : i32
        %multiple_of3A_147 = tpu.assume_multiple %add3A_146, 8 : i32
        %dma_start3A_148 = tpu.memref_slice %arg3[%multiple_of3A_147] : memref<320000xi32, #tpu.memory_space<hbm>> -> memref<80xi32, #tpu.memory_space<hbm>>
        %dma_start3A_149 = tpu.memref_slice %arg3[%multiple_of3A_147] : memref<320000xi32, #tpu.memory_space<hbm>> -> memref<80xi32, #tpu.memory_space<hbm>>
        tpu.enqueue_dma source(%dma_start3A_149 : memref<80xi32, #tpu.memory_space<hbm>>) target(%arg11 : memref<80xi32, #tpu.memory_space<vmem>>) target_semaphore(%arg19 : memref<!tpu.dma_semaphore, #tpu.memory_space<semaphore_mem>>)
        %dma_start3A_150 = tpu.memref_slice %arg4[%multiple_of3A_147] : memref<320000xi32, #tpu.memory_space<hbm>> -> memref<80xi32, #tpu.memory_space<hbm>>
        %dma_start3A_151 = tpu.memref_slice %arg4[%multiple_of3A_147] : memref<320000xi32, #tpu.memory_space<hbm>> -> memref<80xi32, #tpu.memory_space<hbm>>
        tpu.enqueue_dma source(%dma_start3A_151 : memref<80xi32, #tpu.memory_space<hbm>>) target(%arg13 : memref<80xi32, #tpu.memory_space<vmem>>) target_semaphore(%arg19 : memref<!tpu.dma_semaphore, #tpu.memory_space<semaphore_mem>>)
      } else {
      }
    }
    %scan3A_48 = arith.constant 62 : i32
    %get3A = arith.constant 0 : index
    %get3A_49 = tpu.vector_load %arg12[%get3A] {strides = array<i32>} : memref<80xi32, #tpu.memory_space<vmem>>, vector<16xi32>,
    tpu.vector_store_idx %arg14[%get3A_49], %broadcast_in_dim3A_19 {add = true} : memref<10240xf32, #tpu.memory_space<vmem>>[vector<16xi32>], vector<16xf32>,
    %get3A_50 = arith.constant 16 : index
    %get3A_51 = tpu.vector_load %arg12[%get3A_50] {strides = array<i32>} : memref<80xi32, #tpu.memory_space<vmem>>, vector<16xi32>,
    tpu.vector_store_idx %arg14[%get3A_51], %broadcast_in_dim3A_19 {add = true} : memref<10240xf32, #tpu.memory_space<vmem>>[vector<16xi32>], vector<16xf32>,
    %get3A_52 = arith.constant 32 : index
    %get3A_53 = tpu.vector_load %arg12[%get3A_52] {strides = array<i32>} : memref<80xi32, #tpu.memory_space<vmem>>, vector<16xi32>,
    tpu.vector_store_idx %arg14[%get3A_53], %broadcast_in_dim3A_19 {add = true} : memref<10240xf32, #tpu.memory_space<vmem>>[vector<16xi32>], vector<16xf32>,
    %get3A_54 = arith.constant 48 : index
    %get3A_55 = tpu.vector_load %arg12[%get3A_54] {strides = array<i32>} : memref<80xi32, #tpu.memory_space<vmem>>, vector<16xi32>,
    tpu.vector_store_idx %arg14[%get3A_55], %broadcast_in_dim3A_19 {add = true} : memref<10240xf32, #tpu.memory_space<vmem>>[vector<16xi32>], vector<16xf32>,
    %get3A_56 = arith.constant 64 : index
    %get3A_57 = tpu.vector_load %arg12[%get3A_56] {strides = array<i32>} : memref<80xi32, #tpu.memory_space<vmem>>, vector<16xi32>,
    tpu.vector_store_idx %arg14[%get3A_57], %broadcast_in_dim3A_19 {add = true} : memref<10240xf32, #tpu.memory_space<vmem>>[vector<16xi32>], vector<16xf32>,
    %dma_wait3A_58 = arith.constant 0 : i32
    %dma_wait3A_59 = arith.constant 0 : i32
    %dma_wait3A_60 = tpu.memref_slice %arg2[%dma_wait3A_58, %dma_wait3A_59] : memref<10000x128xf32, #tpu.memory_space<hbm>> -> memref<80x128xf32, #tpu.memory_space<hbm>>
    %dma_wait3A_61 = arith.constant 0 : i32
    %dma_wait3A_62 = arith.constant 0 : i32
    %dma_wait3A_63 = tpu.memref_slice %arg2[%dma_wait3A_61, %dma_wait3A_62] : memref<10000x128xf32, #tpu.memory_space<hbm>> -> memref<80x128xf32, #tpu.memory_space<hbm>>
    tpu.wait_dma2 semaphore(%arg16 : memref<!tpu.dma_semaphore, #tpu.memory_space<semaphore_mem>>) src(%dma_wait3A_63 : memref<80x128xf32, #tpu.memory_space<hbm>>) dst(%arg8 : memref<80x128xf32, #tpu.memory_space<vmem>>)
    "tpu.region"() ({
      %run_scoped3A = tpu.sem_alloc : memref<!tpu.dma_semaphore, #tpu.memory_space<semaphore_mem>>
      %dma_start3A_75 = arith.constant 0 : i32
      %dma_start3A_76 = arith.constant 0 : i32
      %dma_start3A_77 = tpu.memref_slice %arg15[%dma_start3A_75, %dma_start3A_76] : memref<10000x128xf32, #tpu.memory_space<vmem_shared>> -> memref<10000x128xf32, #tpu.memory_space<vmem_shared>>
      tpu.enqueue_indirect_dma source(%arg8 : memref<80x128xf32, #tpu.memory_space<vmem>>) target(%dma_start3A_77 : memref<10000x128xf32, #tpu.memory_space<vmem_shared>>) offsets(%arg12 : memref<80xi32, #tpu.memory_space<vmem>>) semaphore(%run_scoped3A : memref<!tpu.dma_semaphore, #tpu.memory_space<semaphore_mem>>) {add = true}
      %dma_wait3A_78 = arith.constant 0 : i32
      %dma_wait3A_79 = arith.constant 0 : i32
      %dma_wait3A_80 = tpu.memref_slice %arg15[%dma_wait3A_78, %dma_wait3A_79] : memref<10000x128xf32, #tpu.memory_space<vmem_shared>> -> memref<10000x128xf32, #tpu.memory_space<vmem_shared>>
      tpu.wait_indirect_dma semaphore(%run_scoped3A : memref<!tpu.dma_semaphore, #tpu.memory_space<semaphore_mem>>) src(%arg8 : memref<80x128xf32, #tpu.memory_space<vmem>>) dst(%dma_wait3A_80 : memref<10000x128xf32, #tpu.memory_space<vmem_shared>>)
      tpu.yield
    }) : () -> ()
    "tpu.region"() ({
      %run_scoped3A = tpu.sem_alloc : memref<!tpu.dma_semaphore, #tpu.memory_space<semaphore_mem>>
      %dma_start3A_75 = arith.constant 0 : i32
      %dma_start3A_76 = tpu.memref_slice %arg7[%add3A, %dma_start3A_75] : memref<32x10240xf32, #tpu.memory_space<hbm>> -> memref<1x10240xf32, #tpu.memory_space<hbm>>
      %dma_start3A_77 = tpu.memref_squeeze %dma_start3A_76 : memref<1x10240xf32, #tpu.memory_space<hbm>> -> memref<10240xf32, #tpu.memory_space<hbm>>
      %dma_start3A_78 = arith.constant 0 : i32
      %dma_start3A_79 = tpu.memref_slice %arg7[%add3A, %dma_start3A_78] : memref<32x10240xf32, #tpu.memory_space<hbm>> -> memref<1x10240xf32, #tpu.memory_space<hbm>>
      %dma_start3A_80 = tpu.memref_squeeze %dma_start3A_79 : memref<1x10240xf32, #tpu.memory_space<hbm>> -> memref<10240xf32, #tpu.memory_space<hbm>>
      tpu.enqueue_dma source(%arg14 : memref<10240xf32, #tpu.memory_space<vmem>>) target(%dma_start3A_80 : memref<10240xf32, #tpu.memory_space<hbm>>) target_semaphore(%run_scoped3A : memref<!tpu.dma_semaphore, #tpu.memory_space<semaphore_mem>>)
      %dma_wait3A_81 = arith.constant 0 : i32
      %dma_wait3A_82 = tpu.memref_slice %arg7[%add3A, %dma_wait3A_81] : memref<32x10240xf32, #tpu.memory_space<hbm>> -> memref<1x10240xf32, #tpu.memory_space<hbm>>
      %dma_wait3A_83 = tpu.memref_squeeze %dma_wait3A_82 : memref<1x10240xf32, #tpu.memory_space<hbm>> -> memref<10240xf32, #tpu.memory_space<hbm>>
      %dma_wait3A_84 = arith.constant 0 : i32
      %dma_wait3A_85 = tpu.memref_slice %arg7[%add3A, %dma_wait3A_84] : memref<32x10240xf32, #tpu.memory_space<hbm>> -> memref<1x10240xf32, #tpu.memory_space<hbm>>
      %dma_wait3A_86 = tpu.memref_squeeze %dma_wait3A_85 : memref<1x10240xf32, #tpu.memory_space<hbm>> -> memref<10240xf32, #tpu.memory_space<hbm>>
      tpu.wait_dma2 semaphore(%run_scoped3A : memref<!tpu.dma_semaphore, #tpu.memory_space<semaphore_mem>>) src(%arg14 : memref<10240xf32, #tpu.memory_space<vmem>>) dst(%dma_wait3A_86 : memref<10240xf32, #tpu.memory_space<hbm>>)
      tpu.yield
    }) : () -> ()
    %barrier3A_64 = arith.constant 0 : index
    tpu.barrier barrier_id(%barrier3A_64)
    %lt3A_65 = arith.constant 15 : i32
    %lt3A_66 = arith.cmpi slt, %arg1, %lt3A_65 : i32
    %convert_element_type3A_67 = arith.extui %lt3A_66 : i1 to i32
    %cond3A_68 = arith.constant 0 : i32
    %cond3A_69 = arith.cmpi ne, %convert_element_type3A_67, %cond3A_68 : i32
    scf.if %cond3A_69 {
      "tpu.region"() ({
        %run_scoped3A = tpu.sem_alloc : memref<!tpu.dma_semaphore, #tpu.memory_space<semaphore_mem>>
        %dma_start3A_75 = arith.constant 0 : i32
        %dma_start3A_76 = tpu.memref_slice %arg6[%arg0, %multiple_of3A_5, %dma_start3A_75] : memref<2x10000x128xf32, #tpu.memory_space<hbm>> -> memref<1x640x128xf32, #tpu.memory_space<hbm>>
        %dma_start3A_77 = tpu.memref_squeeze %dma_start3A_76 : memref<1x640x128xf32, #tpu.memory_space<hbm>> -> memref<640x128xf32, #tpu.memory_space<hbm>>
        %dma_start3A_78 = arith.constant 0 : i32
        %dma_start3A_79 = tpu.memref_slice %arg15[%multiple_of3A_5, %dma_start3A_78] : memref<10000x128xf32, #tpu.memory_space<vmem_shared>> -> memref<640x128xf32, #tpu.memory_space<vmem_shared>>
        tpu.enqueue_dma source(%dma_start3A_79 : memref<640x128xf32, #tpu.memory_space<vmem_shared>>) target(%dma_start3A_77 : memref<640x128xf32, #tpu.memory_space<hbm>>) target_semaphore(%run_scoped3A : memref<!tpu.dma_semaphore, #tpu.memory_space<semaphore_mem>>)
        %dma_wait3A_80 = arith.constant 0 : i32
        %dma_wait3A_81 = tpu.memref_slice %arg6[%arg0, %multiple_of3A_5, %dma_wait3A_80] : memref<2x10000x128xf32, #tpu.memory_space<hbm>> -> memref<1x640x128xf32, #tpu.memory_space<hbm>>
        %dma_wait3A_82 = tpu.memref_squeeze %dma_wait3A_81 : memref<1x640x128xf32, #tpu.memory_space<hbm>> -> memref<640x128xf32, #tpu.memory_space<hbm>>
        %dma_wait3A_83 = arith.constant 0 : i32
        %dma_wait3A_84 = tpu.memref_slice %arg15[%multiple_of3A_5, %dma_wait3A_83] : memref<10000x128xf32, #tpu.memory_space<vmem_shared>> -> memref<640x128xf32, #tpu.memory_space<vmem_shared>>
        tpu.wait_dma2 semaphore(%run_scoped3A : memref<!tpu.dma_semaphore, #tpu.memory_space<semaphore_mem>>) src(%dma_wait3A_84 : memref<640x128xf32, #tpu.memory_space<vmem_shared>>) dst(%dma_wait3A_82 : memref<640x128xf32, #tpu.memory_space<hbm>>)
        tpu.yield
      }) : () -> ()
    } else {
    }
    %eq3A_70 = arith.constant 15 : i32
    %eq3A_71 = arith.cmpi eq, %arg1, %eq3A_70 : i32
    %convert_element_type3A_72 = arith.extui %eq3A_71 : i1 to i32
    %cond3A_73 = arith.constant 0 : i32
    %cond3A_74 = arith.cmpi ne, %convert_element_type3A_72, %cond3A_73 : i32
    scf.if %cond3A_74 {
      "tpu.region"() ({
        %run_scoped3A = tpu.sem_alloc : memref<!tpu.dma_semaphore, #tpu.memory_space<semaphore_mem>>
        %dma_start3A_75 = arith.constant 9600 : i32
        %dma_start3A_76 = arith.constant 0 : i32
        %dma_start3A_77 = tpu.memref_slice %arg6[%arg0, %dma_start3A_75, %dma_start3A_76] : memref<2x10000x128xf32, #tpu.memory_space<hbm>> -> memref<1x400x128xf32, #tpu.memory_space<hbm>>
        %dma_start3A_78 = tpu.memref_squeeze %dma_start3A_77 : memref<1x400x128xf32, #tpu.memory_space<hbm>> -> memref<400x128xf32, #tpu.memory_space<hbm>>
        %dma_start3A_79 = arith.constant 9600 : i32
        %dma_start3A_80 = arith.constant 0 : i32
        %dma_start3A_81 = tpu.memref_slice %arg15[%dma_start3A_79, %dma_start3A_80] : memref<10000x128xf32, #tpu.memory_space<vmem_shared>> -> memref<400x128xf32, #tpu.memory_space<vmem_shared>>
        tpu.enqueue_dma source(%dma_start3A_81 : memref<400x128xf32, #tpu.memory_space<vmem_shared>>) target(%dma_start3A_78 : memref<400x128xf32, #tpu.memory_space<hbm>>) target_semaphore(%run_scoped3A : memref<!tpu.dma_semaphore, #tpu.memory_space<semaphore_mem>>)
        %dma_wait3A_82 = arith.constant 9600 : i32
        %dma_wait3A_83 = arith.constant 0 : i32
        %dma_wait3A_84 = tpu.memref_slice %arg6[%arg0, %dma_wait3A_82, %dma_wait3A_83] : memref<2x10000x128xf32, #tpu.memory_space<hbm>> -> memref<1x400x128xf32, #tpu.memory_space<hbm>>
        %dma_wait3A_85 = tpu.memref_squeeze %dma_wait3A_84 : memref<1x400x128xf32, #tpu.memory_space<hbm>> -> memref<400x128xf32, #tpu.memory_space<hbm>>
        %dma_wait3A_86 = arith.constant 9600 : i32
        %dma_wait3A_87 = arith.constant 0 : i32
        %dma_wait3A_88 = tpu.memref_slice %arg15[%dma_wait3A_86, %dma_wait3A_87] : memref<10000x128xf32, #tpu.memory_space<vmem_shared>> -> memref<400x128xf32, #tpu.memory_space<vmem_shared>>
        tpu.wait_dma2 semaphore(%run_scoped3A : memref<!tpu.dma_semaphore, #tpu.memory_space<semaphore_mem>>) src(%dma_wait3A_88 : memref<400x128xf32, #tpu.memory_space<vmem_shared>>) dst(%dma_wait3A_85 : memref<400x128xf32, #tpu.memory_space<hbm>>)
        tpu.yield
      }) : () -> ()
    } else {
    }
    return
  }
}

module attributes {stable_mosaic.version = 14 : i64} {
  func.func @_tc_body(%arg0: memref<10000x128xf32, #tpu.memory_space<vmem>>, %arg1: memref<2x10000x128xf32, #tpu.memory_space<vmem>>, %arg2: memref<32x10240xf32, #tpu.memory_space<vmem>>, %arg3: memref<128x128xf32, #tpu.memory_space<vmem>>, %arg4: memref<1x128xf32, #tpu.memory_space<vmem>>, %arg5: memref<128x128xf32, #tpu.memory_space<vmem>>, %arg6: memref<1x128xf32, #tpu.memory_space<vmem>>, %arg7: memref<1x128xf32, #tpu.memory_space<vmem>>, %arg8: memref<10000x128xf32, #tpu.memory_space<vmem>>) attributes {dimension_semantics = [], scalar_prefetch = 0 : i64, scratch_operands = 0 : i64, tpu.core_type = #tpu.core_type<tc>} {
    %get3A = arith.constant 0 : index
    %get3A_0 = arith.constant 0 : index
    %get3A_1 = arith.constant 0 : index
    %get3A_2 = vector.load %arg1[%get3A, %get3A_0, %get3A_1] : memref<2x10000x128xf32, #tpu.memory_space<vmem>>, vector<1x10000x128xf32>
    %get3A_3 = vector.shape_cast %get3A_2 : vector<1x10000x128xf32> to vector<10000x128xf32>
    %get3A_4 = arith.constant 1 : index
    %get3A_5 = arith.constant 0 : index
    %get3A_6 = arith.constant 0 : index
    %get3A_7 = vector.load %arg1[%get3A_4, %get3A_5, %get3A_6] : memref<2x10000x128xf32, #tpu.memory_space<vmem>>, vector<1x10000x128xf32>
    %get3A_8 = vector.shape_cast %get3A_7 : vector<1x10000x128xf32> to vector<10000x128xf32>
    %add3A = arith.addf %get3A_3, %get3A_8 : vector<10000x128xf32>
    %get3A_9 = arith.constant 0 : index
    %get3A_10 = arith.constant 0 : index
    %get3A_11 = vector.load %arg2[%get3A_9, %get3A_10] : memref<32x10240xf32, #tpu.memory_space<vmem>>, vector<32x10240xf32>
    %reduce_sum3A = arith.constant dense<0.000000e+00> : vector<10240xf32>
    %reduce_sum3A_12 = vector.multi_reduction <add>, %get3A_11, %reduce_sum3A [0] : vector<32x10240xf32> to vector<10240xf32>
    %slice3A = vector.extract_strided_slice %reduce_sum3A_12 {offsets = [0], sizes = [10000], strides = [1]} : vector<10240xf32> to vector<10000xf32>
    %max3A = arith.constant 1.000000e+00 : f32
    %max3A_13 = vector.broadcast %max3A : f32 to vector<10000xf32>
    %max3A_14 = arith.maximumf %slice3A, %max3A_13 : vector<10000xf32>
    %broadcast_in_dim3A = vector.shape_cast %max3A_14 : vector<10000xf32> to vector<10000x1xf32>
    %div3A = vector.broadcast %broadcast_in_dim3A : vector<10000x1xf32> to vector<10000x128xf32>
    %div3A_15 = arith.divf %add3A, %div3A : vector<10000x128xf32>
    %get3A_16 = arith.constant 0 : index
    %get3A_17 = arith.constant 0 : index
    %get3A_18 = vector.load %arg3[%get3A_16, %get3A_17] : memref<128x128xf32, #tpu.memory_space<vmem>>, vector<128x128xf32>
    %dot_general3A = arith.constant dense<0.000000e+00> : vector<10000x128xf32>
    %dot_general3A_19 = tpu.matmul %div3A_15, %get3A_18, %dot_general3A {dimension_numbers = #tpu.dot_dimension_numbers<[1], [0], [0], [1], [0, 0, 1, 1], [], []>, transpose_lhs_hint = false} : vector<10000x128xf32>, vector<128x128xf32>, vector<10000x128xf32> -> vector<10000x128xf32>
    %get3A_20 = arith.constant 0 : index
    %get3A_21 = arith.constant 0 : index
    %get3A_22 = vector.load %arg0[%get3A_20, %get3A_21] : memref<10000x128xf32, #tpu.memory_space<vmem>>, vector<10000x128xf32>
    %get3A_23 = arith.constant 0 : index
    %get3A_24 = arith.constant 0 : index
    %get3A_25 = vector.load %arg5[%get3A_23, %get3A_24] : memref<128x128xf32, #tpu.memory_space<vmem>>, vector<128x128xf32>
    %dot_general3A_26 = arith.constant dense<0.000000e+00> : vector<10000x128xf32>
    %dot_general3A_27 = tpu.matmul %get3A_22, %get3A_25, %dot_general3A_26 {dimension_numbers = #tpu.dot_dimension_numbers<[1], [0], [0], [1], [0, 0, 1, 1], [], []>, transpose_lhs_hint = false} : vector<10000x128xf32>, vector<128x128xf32>, vector<10000x128xf32> -> vector<10000x128xf32>
    %add3A_28 = arith.addf %dot_general3A_19, %dot_general3A_27 : vector<10000x128xf32>
    %get3A_29 = arith.constant 0 : index
    %get3A_30 = arith.constant 0 : index
    %get3A_31 = vector.load %arg4[%get3A_29, %get3A_30] : memref<1x128xf32, #tpu.memory_space<vmem>>, vector<1x128xf32>
    %add3A_32 = vector.broadcast %get3A_31 : vector<1x128xf32> to vector<10000x128xf32>
    %add3A_33 = arith.addf %add3A_28, %add3A_32 : vector<10000x128xf32>
    %mul3A = arith.mulf %add3A_33, %add3A_33 : vector<10000x128xf32>
    %reduce_sum3A_34 = arith.constant dense<0.000000e+00> : vector<10000xf32>
    %reduce_sum3A_35 = vector.multi_reduction <add>, %mul3A, %reduce_sum3A_34 [1] : vector<10000x128xf32> to vector<10000xf32>
    %broadcast_in_dim3A_36 = vector.shape_cast %reduce_sum3A_35 : vector<10000xf32> to vector<10000x1xf32>
    %sqrt3A = math.sqrt %broadcast_in_dim3A_36 : vector<10000x1xf32>
    %max3A_37 = arith.constant 9.99999996E-13 : f32
    %max3A_38 = vector.broadcast %max3A_37 : f32 to vector<10000x1xf32>
    %max3A_39 = arith.maximumf %sqrt3A, %max3A_38 : vector<10000x1xf32>
    %div3A_40 = vector.broadcast %max3A_39 : vector<10000x1xf32> to vector<10000x128xf32>
    %div3A_41 = arith.divf %add3A_33, %div3A_40 : vector<10000x128xf32>
    %max3A_42 = arith.constant 0.000000e+00 : f32
    %max3A_43 = vector.broadcast %max3A_42 : f32 to vector<10000x128xf32>
    %max3A_44 = arith.maximumf %div3A_41, %max3A_43 : vector<10000x128xf32>
    %reduce_sum3A_45 = arith.constant dense<0.000000e+00> : vector<128xf32>
    %reduce_sum3A_46 = vector.multi_reduction <add>, %max3A_44, %reduce_sum3A_45 [0] : vector<10000x128xf32> to vector<128xf32>
    %broadcast_in_dim3A_47 = vector.shape_cast %reduce_sum3A_46 : vector<128xf32> to vector<1x128xf32>
    %div3A_48 = arith.constant 1.000000e+04 : f32
    %div3A_49 = vector.broadcast %div3A_48 : f32 to vector<1x128xf32>
    %div3A_50 = arith.divf %broadcast_in_dim3A_47, %div3A_49 : vector<1x128xf32>
    %sub3A = vector.broadcast %div3A_50 : vector<1x128xf32> to vector<10000x128xf32>
    %sub3A_51 = arith.subf %max3A_44, %sub3A : vector<10000x128xf32>
    %integer_pow3A = arith.mulf %sub3A_51, %sub3A_51 : vector<10000x128xf32>
    %reduce_sum3A_52 = arith.constant dense<0.000000e+00> : vector<128xf32>
    %reduce_sum3A_53 = vector.multi_reduction <add>, %integer_pow3A, %reduce_sum3A_52 [0] : vector<10000x128xf32> to vector<128xf32>
    %broadcast_in_dim3A_54 = vector.shape_cast %reduce_sum3A_53 : vector<128xf32> to vector<1x128xf32>
    %div3A_55 = arith.constant 1.000000e+04 : f32
    %div3A_56 = vector.broadcast %div3A_55 : f32 to vector<1x128xf32>
    %div3A_57 = arith.divf %broadcast_in_dim3A_54, %div3A_56 : vector<1x128xf32>
    %sub3A_58 = vector.broadcast %div3A_50 : vector<1x128xf32> to vector<10000x128xf32>
    %sub3A_59 = arith.subf %max3A_44, %sub3A_58 : vector<10000x128xf32>
    %get3A_60 = arith.constant 0 : index
    %get3A_61 = arith.constant 0 : index
    %get3A_62 = vector.load %arg6[%get3A_60, %get3A_61] : memref<1x128xf32, #tpu.memory_space<vmem>>, vector<1x128xf32>
    %add3A_63 = arith.constant 9.99999974E-6 : f32
    %add3A_64 = vector.broadcast %add3A_63 : f32 to vector<1x128xf32>
    %add3A_65 = arith.addf %div3A_57, %add3A_64 : vector<1x128xf32>
    %rsqrt3A = math.rsqrt %add3A_65 : vector<1x128xf32>
    %mul3A_66 = arith.mulf %get3A_62, %rsqrt3A : vector<1x128xf32>
    %mul3A_67 = vector.broadcast %mul3A_66 : vector<1x128xf32> to vector<10000x128xf32>
    %mul3A_68 = arith.mulf %sub3A_59, %mul3A_67 : vector<10000x128xf32>
    %get3A_69 = arith.constant 0 : index
    %get3A_70 = arith.constant 0 : index
    %get3A_71 = vector.load %arg7[%get3A_69, %get3A_70] : memref<1x128xf32, #tpu.memory_space<vmem>>, vector<1x128xf32>
    %add3A_72 = vector.broadcast %get3A_71 : vector<1x128xf32> to vector<10000x128xf32>
    %add3A_73 = arith.addf %mul3A_68, %add3A_72 : vector<10000x128xf32>
    %swap3A = arith.constant 0 : index
    %swap3A_74 = arith.constant 0 : index
    %swap3A_75 = vector.load %arg8[%swap3A, %swap3A_74] : memref<10000x128xf32, #tpu.memory_space<vmem>>, vector<10000x128xf32>
    tpu.vector_store %arg8[%swap3A, %swap3A_74], %add3A_73 {strides = array<i32>} : memref<10000x128xf32, #tpu.memory_space<vmem>>, vector<10000x128xf32>,
    return
  }
}

</mosaic_0001>

<sc_bundles>
// kernel: kernel.4.cloned.1.call-start
scs
__scs_entry_jumppad:
0x0: {  	(pc) =	sbr.rel $0x88, $3  }
0x1: {  	(tag) =	ssettag $0x0;
	lr =	simm.s32 $0x1  }
0x2: {  	[smem:$0x3F9A] =	sst lr;
	_ =	strace $0xD0000000  }
0x3: {  	_ = 	snop  }
0x4: {  	_ = 	snop  }
0x5: {  	_ = 	snop  }
0x6: {  	_ = 	snop  }
0x7: {  	_ = 	snop  }
__scs_overlays_trampoline_lowered:
0x8: {  	[smem:$0x3FA9] =	sst s0  }
0x9: {  	[smem:$0x3FAA] =	sst s1  }
0xa: {  	[smem:$0x3FAB] =	sst s2  }
0xb: {  	[smem:$0x3FAC] =	sst s3  }
0xc: {  	[smem:$0x3FAD] =	sst s4  }
0xd: {  	[smem:$0x3FAE] =	sst s5  }
0xe: {  	[smem:$0x3FAF] =	sst s6  }
0xf: {  	[smem:$0x3FB0] =	sst s7  }
0x10: {  	[smem:$0x3FB1] =	sst s8  }
0x11: {  	[smem:$0x3FB2] =	sst s9;
	s0 =	simm.s32 @!p0 $0x0  }
0x12: {  	s1 =	sld [smem:$0x3F98];
	s0 =	simm.s32 @p0 $0x1  }
0x13: {  	[smem:$0x3FB3] =	sst s0;
	s0 =	simm.s32 @!p1 $0x0  }
0x14: {  	s2 =	sld [smem:$0x3F97];
	s0 =	simm.s32 @p1 $0x1  }
0x15: {  	[smem:$0x3FB4] =	sst s0;
	s0 =	simm.s32 @!p2 $0x0  }
0x16: {  	s3 =	sld [smem:$0x3FDB];
	s0 =	simm.s32 @p2 $0x1  }
0x17: {  	s4 =	simm.s32 $0x1BF5;
	[smem:$0x3FB6] =	sst s0  }
0x18: {  	s0 =	sld [smem:$0x3F99];
	_ =	swait.ge [sflag:s4], $0x0  }
0x19: {  	s7 =	sld [smem:$0x3F9A]  }
0x1a: {  	s8 =	sadd.s32 $0xFFFFE003, lr  }
0x1b: {  	s9 =	sadd.s32 $0xFFFFFEF7, lr;
	s5 =	simm.s32 $0xFFFFFFFF;
	p2 =	slt.u32 s8, $0xFFFFF086  }
0x1c: {  	p1 =	slt.u32 s9, $0xF7A;
	s5 =	simm.s32 @!p2 $0x0  }
0x1d: {  	s5 =	simm.s32 @p1 $0x1;
	p0 =	seq.s32 s7, s2  }
0x1e: {  	s7 =	smul.u32 @!p0 $0xF7A, s2;
	p2 =	seq.s32 @!p0 s5, $0x0  }
0x1f: {  	s9 =	smul.u32 $0xF7A, s1;
	s8 =	simm.s32 @!p0 $0x1BF5;
	p2 =	por !p2, p0  }
0x20: {  	[sflag:s8] =	ssyncset.s32 @!p0 $0xFFFFF086;
	s6 =	sadd.s32 @!p0 s3, s7;
	s7 =	simm.s32 @!p0 $0x108  }
0x21: {  	s3 =	sadd.s32 s3, s9;
	s6 =	sadd.s32 @!p0 $0x88, s6;
	s7 =	simm.s32 @p2 $0x1082  }
0x22: {  	[simem:s7], [sflag:s8] =	dma.local @!p0 [hbm:s6], $0xF7A  }
0x23: {  	s9 =	sor.u32 $0xD0000000, s2;
	s6 =	simm.s32 $0x108;
	_ =	swait.ge @!p0 [sflag:s8], $0x0  }
0x24: {  	s3 =	sadd.s32 $0x88, s3;
	s6 =	simm.s32 @!p1 $0x1082;
	[sflag:s4] =	ssyncset.s32 $0xFFFFF086  }
0x25: {  	[simem:s6], [sflag:s4] =	dma.local [hbm:s3], $0xF7A  }
0x26: {  	[smem:$0x3F9A] =	sst s1;
	(tag) =	ssettag s2;
	_ =	strace s9  }
0x27: {  	s1 =	sld [smem:$0x3FAA]  }
0x28: {  	s2 =	sld [smem:$0x3FAB]  }
0x29: {  	s4 =	sld [smem:$0x3FAD]  }
0x2a: {  	p0 =	seq.s32 s5, $0x0;
	s5 =	sld [smem:$0x3FAE]  }
0x2b: {  	s6 =	sld [smem:$0x3FAF]  }
0x2c: {  	s7 =	sld [smem:$0x3FB0]  }
0x2d: {  	s3 =	simm.s32 $0x108;
	s8 =	sld [smem:$0x3FB1]  }
0x2e: {  	s3 =	simm.s32 @!p0 $0x1082;
	s9 =	sld [smem:$0x3FB2]  }
0x2f: {  	lr =	sadd.s32 s0, s3;
	s0 =	sld [smem:$0x3FA9]  }
0x30: {  	s3 =	sld [smem:$0x3FAC]  }
0x31: {  	[smem:$0x3FB5] =	sst s10  }
0x32: {  	s10 =	sld [smem:$0x3FB3];
	_ =	sdelay $0x3  }
0x33: {  	p0 =	seq.s32 s10, $0x1;
	s10 =	sld [smem:$0x3FB5];
	_ =	sdelay $0x3  }
0x34: {  	[smem:$0x3FB5] =	sst s10  }
0x35: {  	s10 =	sld [smem:$0x3FB4];
	_ =	sdelay $0x3  }
0x36: {  	p1 =	seq.s32 s10, $0x1;
	s10 =	sld [smem:$0x3FB5];
	_ =	sdelay $0x3  }
0x37: {  	[smem:$0x3FB5] =	sst s10  }
0x38: {  	s10 =	sld [smem:$0x3FB6]  }
0x39: {  	_ = 	snop;
	(pc) =	sbr.ind lr, $3  }
0x3a: {  	_ = 	snop  }
0x3b: {  	_ = 	snop  }
0x3c: {  	p2 =	seq.s32 s10, $0x1;
	s10 =	sld [smem:$0x3FB5]  }
0x3d: {  	_ =	shalt  }
0x3e: {  	_ =	shalt  }
0x3f: {  	_ =	shalt  }
0x40: {  	_ =	shalt  }
0x41: {  	_ =	shalt  }
0x42: {  	_ =	shalt  }
0x43: {  	_ =	shalt  }
0x44: {  	_ =	shalt  }
0x45: {  	_ =	shalt  }
0x46: {  	_ =	shalt  }
0x47: {  	_ =	shalt  }
0x48: {  	_ =	shalt  }
0x49: {  	_ =	shalt  }
0x4a: {  	_ =	shalt  }
0x4b: {  	_ =	shalt  }
0x4c: {  	_ =	shalt  }
0x4d: {  	_ =	shalt  }
0x4e: {  	_ =	shalt  }
0x4f: {  	_ =	shalt  }
0x50: {  	_ =	shalt  }
0x51: {  	_ =	shalt  }
0x52: {  	_ =	shalt  }
0x53: {  	_ =	shalt  }
0x54: {  	_ =	shalt  }
0x55: {  	_ =	shalt  }
0x56: {  	_ =	shalt  }
0x57: {  	_ =	shalt  }
0x58: {  	_ =	shalt  }
0x59: {  	_ =	shalt  }
0x5a: {  	_ =	shalt  }
0x5b: {  	_ =	shalt  }
0x5c: {  	_ =	shalt  }
0x5d: {  	_ =	shalt  }
0x5e: {  	_ =	shalt  }
0x5f: {  	_ =	shalt  }
0x60: {  	_ =	shalt  }
0x61: {  	_ =	shalt  }
0x62: {  	_ =	shalt  }
0x63: {  	_ =	shalt  }
0x64: {  	_ =	shalt  }
0x65: {  	_ =	shalt  }
0x66: {  	_ =	shalt  }
0x67: {  	_ =	shalt  }
0x68: {  	_ =	shalt  }
0x69: {  	_ =	shalt  }
0x6a: {  	_ =	shalt  }
0x6b: {  	_ =	shalt  }
0x6c: {  	_ =	shalt  }
0x6d: {  	_ =	shalt  }
0x6e: {  	_ =	shalt  }
0x6f: {  	_ =	shalt  }
0x70: {  	_ =	shalt  }
0x71: {  	_ =	shalt  }
0x72: {  	_ =	shalt  }
0x73: {  	_ =	shalt  }
0x74: {  	_ =	shalt  }
0x75: {  	_ =	shalt  }
0x76: {  	_ =	shalt  }
0x77: {  	_ =	shalt  }
0x78: {  	_ =	shalt  }
0x79: {  	_ =	shalt  }
0x7a: {  	_ =	shalt  }
0x7b: {  	_ =	shalt  }
0x7c: {  	_ =	shalt  }
0x7d: {  	_ =	shalt  }
0x7e: {  	_ =	shalt  }
0x7f: {  	_ =	shalt  }
0x80: {  	_ =	shalt  }
0x81: {  	_ =	shalt  }
0x82: {  	_ =	shalt  }
0x83: {  	_ =	shalt  }
0x84: {  	_ =	shalt  }
0x85: {  	_ =	shalt  }
0x86: {  	_ =	shalt  }
0x87: {  	_ =	shalt  }
.Lfunc_end0:
.L_simem_size_0:
called_computation_lowered:
.L_overlay_start_0:
0x88: {  	s2 =	sld [smem:$0x3FD9]  }
0x89: {  	s3 =	sld [smem:$0x3FFE];
	_ =	sdelay $0x1  }
0x8a: {  	s1 =	srdreg.scid  }
0x8b: {  	s0 =	sand.u32 $0x1, s1  }
0x8c: {  	s17 =	sshll.u32 s0, $0xA;
	s2 =	sadd.s32 s3, s2  }
0x8d: {  	s2 =	sadd.s32 s2, s17  }
0x8e: {  	[smem:$0x3FC1] =	sst s2  }
0x8f: {  	_ = 	snop  }
0x90: {  	s2 =	sld [smem:$0x3FC9]  }
0x91: {  	s18 =	sld [smem:$0x3FD0];
	(tm) =	ssettm $0x1  }
0x92: {  	s4 =	sld [smem:$0x3FFB];
	_ =	sdelay $0x3  }
0x93: {  	_ =	strace s4  }
0x94: {  	s4 =	sld [smem:$0x3FFC];
	_ =	sdelay $0x3  }
0x95: {  	_ =	strace s4  }
0x96: {  	s4 =	sld [smem:$0x3FFD];
	_ =	sdelay $0x3  }
0x97: {  	_ =	strace s4  }
0x98: {  	_ =	strace $0x8FFFFFFF  }
0x99: {  	s19 =	sld [smem:$0x3FDB];
	_ =	sdelay $0x1  }
0x9a: {  	s5 =	simm.s32 $_scs_section_size  }
0x9b: {  	s6 =	simm.s32 $_size__tile_overlayer_lowered;
	s7 =	simm.s32 $_tile_overlayer_lowered  }
0x9c: {  	s22 =	simm.s32 $0x1BFF;
	s21 =	sshll.u32 s7, $0x1;
	s4 =	sadd.s32 s5, s19  }
0x9d: {  	s8 =	simm.s32 $0x0;
	s20 =	sshll.u32 s6, $0x1;
	s6 =	sadd.s32 s21, s4  }
0x9e: {  	[timem:s8], [sflag:s22] =	dma.local [hbm:s6], s20  }
0x9f: {  	_ =	swait.ge [sflag:s22], s20  }
0xa0: {  	s5 =	ssub.s32 $0x0, s20;
	[sflag:s22] =	ssyncset.done $0x0  }
0xa1: {  	[sflag:s22] =	ssyncadd.s32 s5;
	_ =	sdelay $0x1  }
0xa2: {  	s23 =	simm.s32 $0x1B8B  }
0xa3: {  	_ =	swait.ge [sflag:s23], $0x1  }
0xa4: {  	[sflag:s23] =	ssyncset.done $0x0  }
0xa5: {  	s25 =	simm.s32 $0x1B8E;
	s24 =	sld [smem:$0x3FFE];
	[sflag:s23] =	ssyncadd.s32 $0xFFFFFFFF  }
0xa6: {  	s26 =	simm.s32 $execute0_lowered;
	[smem:$0x3FD2] =	sst s25  }
0xa7: {  	s6 =	sshll.u32 s26, $0x1;
	_ =	strace $0x80000046;
	[dreg:$0x1] =	wrdreg $0xFFFFFFFF  }
0xa8: {  	s28 =	simm.s32 $_size_execute0_lowered;
	s4 =	sadd.s32 s4, s6;
	[dreg:$0x0] =	wrdreg $0x0  }
0xa9: {  	s6 =	sshll.u32 s28, $0x1;
	[dreg:$0x2] =	wrdreg s4  }
0xaa: {  	[dreg:$0x3] =	wrdreg s6  }
0xab: {  	[dreg:$0x4] =	wrdreg $0xC0  }
0xac: {  	_ =	task [dreg:s8], $0x5FFFF  }
0xad: {  	[dreg:$0x1] =	wrdreg $0xFFFFFFFF  }
0xae: {  	[dreg:$0x0] =	wrdreg $0x60  }
0xaf: {  	[dreg:$0x2] =	wrdreg s2  }
0xb0: {  	[dreg:$0x3] =	wrdreg s24  }
0xb1: {  	[dreg:$0x4] =	wrdreg s18  }
0xb2: {  	[dreg:$0x5] =	wrdreg $0x7A000  }
0xb3: {  	[dreg:$0x6] =	wrdreg $0x9  }
0xb4: {  	_ =	task.clear_ibuf [dreg:s8], $0x7FFFF;
	_ =	strace $0x90000046  }
0xb5: {  	s29 =	simm.s32 $0x9;
	_ =	strace $0x80000048  }
0xb6: {  	_ =	swait.ge [sflag:s29], $0x1  }
0xb7: {  	[sflag:s29] =	ssyncadd.s32 $0xFFFFFFFF  }
0xb8: {  	_ =	strace $0x90000048  }
0xb9: {  	_ =	sfence  }
0xba: {  	s30 =	sld [smem:$0x0];
	_ =	sdelay $0x2  }
0xbb: {  	s31 =	sshll.u32 s1, $0xD;
	s1 =	sshrl.u32 s1, $0x2  }
0xbc: {  	s3 =	sand.u32 $0x4000, s31;
	s1 =	sadd.s32 s1, s30  }
0xbd: {  	s0 =	sor.u32 s3, s0;
	s1 =	sshll.u32 s1, $0x11  }
0xbe: {  	s0 =	sor.u32 s1, s0  }
0xbf: {  	s0 =	sadd.s32 $0x8F2B, s0  }
0xc0: {  	[sflag:s0] =	ssyncadd.remote.s32 $0x1  }
0xc1: {  	_ =	sfence.sel $0xFFFF  }
0xc2: {  	[dreg:$0x0] =	wrdreg $0xFFFFFFFF;
	(pc) =	sbr.abs _section_cstart, $3  }
0xc3: {  	[dreg:$0x1] =	wrdreg $0xFFFFFFFF  }
0xc4: {  	_ =	task.clear_ibuf [dreg:s8], $0x2FFFF;
	_ =	strace $0x9FFFFFFF  }
0xc5: {  	(tm) =	ssettm $0x7FFFFFFF  }
tec
execute0_lowered:
.L_overlay_start_1:
0x0: {  	(tag) =	ssettag $0x1  }
0x1: {  	s1 =	rddreg [dreg:$0x0]  }
0x2: {  	s0 =	rddreg [dreg:$0x1]  }
0x3: {  	s4 =	rddreg [dreg:$0x2]  }
0x4: {  	s2 =	rddreg [dreg:$0x3];
	s3 =	simm.s32 $0x0  }
0x5: {  	s8 =	srdreg.scid;
	s20 =	stileid.u32;
	s28 =	simm.s32 $0x4  }
0x6: {  	s29 =	simm.s32 $0x2800;
	s30 =	simm.s32 $0x5200;
	s31 =	simm.s32 $0x1  }
0x7: {  	[smem:$0x7FF] =	sst s3;
	s5 =	sadd.s32 $0xB400, s0;
	s6 =	sadd.s32 $0x1600, s0  }
0x8: {  	s7 =	sadd.s32 $0x15200, s0;
	s8 =	sand.u32 $0x1, s8;
	s11 =	smul.u32 $0x50000, s20  }
0x9: {  	s10 =	sshll.u32 s20, $0x1;
	s0 =	sadd.s32 $0x17A00, s0;
	s15 =	smul.u32 $0x14000, s20  }
0xa: {  	s14 =	sshrl.u32 s20, $0x2;
	s26 =	sadd.s32 $0x12C000, s2;
	s16 =	smul.u32 $0x4E20, s20  }
0xb: {  	p0 =	seq.s32 s20, $0xF;
	_ =	strace $0x80000047;
	s25 =	smul.u32 $0x14000, s14  }
0xc: {  	s9 =	ssub.s32 $0x2, s8;
	s10 =	sor.u32 s8, s10;
	s17 =	smul.u32 $0x138800, s8  }
0xd: {  	[dreg:$0x6] =	wrdreg s26;
	s8 =	smul.u32 $0x2710, s8;
	s12 =	sshrl.u32 s9, $0x1  }
0xe: {  	s13 =	smul.u32 $0x2710, s10;
	s11 =	sshrl.u32 s11, $0x2;
	s10 =	sshll.u32 s10, $0x7  }
0xf: {  	s9 =	ssub.s32 s9, s12;
	s11 =	sadd.s32 s11, s2;
	s10 =	sand.u32 $0x380, s10  }
0x10: {  	s23 =	sadd.s32 s15, s17;
	s8 =	sadd.s32 s8, s16;
	s24 =	sshrl.u32 s17, $0x3  }
0x11: {  	[dreg:$0x5] =	wrdreg s11;
	s13 =	sshrl.u32 s13, $0x3;
	s10 =	sor.u32 s25, s10  }
0x12: {  	s25 =	sadd.s32 $0xF0, s8;
	s17 =	smax.u32 s9, $0x1;
	s18 =	sadd.s32 s5, s13  }
0x13: {  	s19 =	sadd.s32 s6, s13;
	s12 =	sadd.s32 $0xA, s13;
	s10 =	sshrl.u32 s10, $0x3  }
0x14: {  	s26 =	sshrl.u32 s25, $0x3;
	s13 =	sadd.s32 $0xA0, s8;
	[dreg:$0x7] =	wrdreg s18  }
0x15: {  	s25 =	simm.s32 $0x5080;
	s8 =	simm.s32 $0x0;
	[dreg:$0x8] =	wrdreg s19  }
0x16: {  	s21 =	sadd.s32 s5, s12;
	s22 =	sadd.s32 s6, s12;
	s4 =	sadd.s32 s4, s10  }
0x17: {  	s18 =	sadd.s32 s26, s6;
	s19 =	sadd.s32 s26, s5;
	[dreg:$0x9] =	wrdreg s21  }
.Ltmp0:
0x18: {  	s26 =	simm.s32 $0x5180;
	[dreg:$0xa] =	wrdreg s22;
	(pc) =	sbr.rel .LBB2_1-.Ltmp0, $4  }
0x19: {  	[dreg:$0xb] =	wrdreg s4;
	s4 =	sshrl.u32 s23, $0x3;
	s21 =	simm.s32 $0x5000  }
0x1a: {  	s22 =	simm.s32 $0x5100;
	s23 =	simm.s32 $0x3;
	s4 =	sadd.s32 s0, s4  }
0x1b: {  	s0 =	sadd.s32 s0, s24;
	s24 =	simm.s32 $0x50;
	[dreg:$0xc] =	wrdreg s4  }
0x1c: {  	v0 =	vimm.f32 $0.0e+00;
	v1 =	vimm.f32 $1.000000000e+00;
	s16 =	sadd.s32 $0x25800, s0;
	s0 =	simm.s32 $0x5;
	s4 =	simm.s32 $0x2  }
.LBB2_6:
0x1d: {  	v2 =	vld [tilespmem:$0x5100];
	_ =	sdelay $0x7  }
0x1e: {  	[tilespmem:v2+s30+$0x0] =	vst.idx.add.f32.msk $0xffff, v1  }
0x1f: {  	v2 =	vld [tilespmem:$0x5110];
	_ =	sdelay $0x7  }
0x20: {  	[tilespmem:v2+s30+$0x0] =	vst.idx.add.f32.msk $0xffff, v1  }
0x21: {  	v2 =	vld [tilespmem:$0x5120];
	_ =	sdelay $0x7  }
0x22: {  	[tilespmem:v2+s30+$0x0] =	vst.idx.add.f32.msk $0xffff, v1  }
0x23: {  	v2 =	vld [tilespmem:$0x5130];
	_ =	sdelay $0x7  }
0x24: {  	[tilespmem:v2+s30+$0x0] =	vst.idx.add.f32.msk $0xffff, v1  }
0x25: {  	v2 =	vld [tilespmem:$0x5140];
	_ =	sdelay $0x7  }
0x26: {  	[tilespmem:v2+s30+$0x0] =	vst.idx.add.f32.msk $0xffff, v1  }
0x27: {  	_ =	swait.ge [sflag:s31], $0x2800  }
0x28: {  	[sflag:s31] =	ssyncset.done $0x0  }
0x29: {  	[sflag:s31] =	ssyncadd.s32 $0xFFFFD800  }
0x2a: {  	[spmem:s2] =	stream.indirect.scatter.add.f32 [tilespmem:s3], [sflag:$0x5], $0x80, s22, s24, $0xb8;
	[tilespmem:$0x1B280] =	vst v63  }
0x2b: {  	_ =	swait.ge [sflag:s0], $0x2800  }
0x2c: {  	s14 =	simm.s32 $0x80;
	[sflag:s0] =	ssyncset.done $0x0  }
0x2d: {  	s15 =	simm.s32 $0x400;
	s12 =	rddreg [dreg:$0xb];
	[sflag:s0] =	ssyncadd.s32 $0xFFFFD800  }
0x2e: {  	[hbm4b:s12+s14] =	stream.strided.scatter [tilespmem:s30], [sflag:$0x5], $0x2800, s15, s14, $0x38;
	[tilespmem:$0x1B280] =	vst v63  }
0x2f: {  	_ =	swait.ge [sflag:s0], $0x2800  }
0x30: {  	[sflag:s0] =	ssyncset.done $0x0  }
0x31: {  	[sflag:s0] =	ssyncadd.s32 $0xFFFFD800  }
0x32: {  	s12 =	simm.s32 @p0 $0x1FC5;
	[bflag:$0x0] =	sbarrier.arrive $0xFFFF  }
0x33: {  	[hbm:s16], [sflag:s12] =	dma.local @p0 [spmem:s9], $0x1900  }
0x34: {  	s9 =	simm.s32 @p0 $0x5  }
0x35: {  	_ =	swait.ge @p0 [sflag:s9], $0x1900  }
0x36: {  	s8 =	sadd.s32 $0x1, s8;
	[sflag:s9] =	ssyncset.done @p0 $0x0  }
0x37: {  	p1 =	sne.s32 s8, s17;
	[sflag:s9] =	ssyncadd.s32 @p0 $0xFFFFE700;
	s9 =	rddreg [dreg:$0xc]  }
0x38: {  	[hbm:s9], [sflag:s10] =	dma.local @!p0 [spmem:s11], $0x2800  }
.Ltmp1:
0x39: {  	_ = 	snop;
	(pc) =	sbr.rel @!p1 .LBB2_7-.Ltmp1, $4  }
0x3a: {  	s9 =	simm.s32 @!p0 $0x5  }
0x3b: {  	_ =	swait.ge @!p0 [sflag:s9], $0x2800  }
0x3c: {  	[sflag:s9] =	ssyncset.done @!p0 $0x0  }
0x3d: {  	[sflag:s9] =	ssyncadd.s32 @!p0 $0xFFFFD800  }
.LBB2_1:
0x3e: {  	s9 =	rddreg [dreg:$0x6]  }
0x3f: {  	s10 =	simm.s32 @p0 $0x1FC5;
	s9 =	sshrl.u32 @p0 s9, $0x3  }
0x40: {  	[spmem:s9], [sflag:s10] =	dma.local @p0 [hbm:s7], $0x1900  }
0x41: {  	s10 =	simm.s32 @p0 $0x5  }
0x42: {  	s11 =	stileid.u32;
	_ =	swait.ge @p0 [sflag:s10], $0x1900  }
0x43: {  	s11 =	sshll.u32 @!p0 s11, $0x6;
	[sflag:s10] =	ssyncset.done @p0 $0x0  }
0x44: {  	[sflag:s10] =	ssyncadd.s32 @p0 $0xFFFFE700;
	s10 =	sor.u32 @!p0 $0x1C05, s11;
	s11 =	rddreg [dreg:$0x5]  }
0x45: {  	s12 =	simm.s32 @!p0 $0x5;
	s11 =	sshrl.u32 @!p0 s11, $0x3  }
0x46: {  	[spmem:s11], [sflag:s10] =	dma.local @!p0 [hbm:s7], $0x2800  }
0x47: {  	_ =	swait.ge @!p0 [sflag:s12], $0x2800  }
0x48: {  	[sflag:s12] =	ssyncset.done @!p0 $0x0  }
0x49: {  	s20 =	simm.s32 $0x0;
	[sflag:s12] =	ssyncadd.s32 @!p0 $0xFFFFD800;
	s12 =	simm.s32 $0x40  }
.LBB2_2:
0x4a: {  	p1 =	sne.s32 s12, $0x9FC0;
	[tilespmem:s20+$0x5200] =	vst v0;
	s20 =	smov.u32 s12;
	s12 =	sadd.s32 $0x40, s12  }
.Ltmp2:
0x4b: {  	(pc) =	sbr.rel @p1 .LBB2_2-.Ltmp2, $2  }
0x4c: {  	_ =	sdelay $0x2  }
0x4d: {  	s20 =	sshra.s32 s20, $0x2  }
0x4e: {  	[tilespmem:s20+$0x5200] =	vst v0  }
0x4f: {  	[bflag:$0x0] =	sbarrier.arrive $0xFFFF  }
0x50: {  	s12 =	simm.s32 $0x0;
	s14 =	rddreg [dreg:$0x7]  }
0x51: {  	[tilespmem:s21], [sflag:$0x3] =	stream.linear.gather [hbm4b:s14+s12], $0x50, $0x38;
	[tilespmem:$0x1B280] =	vst v63  }
0x52: {  	s20 =	rddreg [dreg:$0x8]  }
0x53: {  	[tilespmem:s22], [sflag:$0x3] =	stream.linear.gather [hbm4b:s20+s12], $0x50, $0x38;
	[tilespmem:$0x1B280] =	vst v63  }
0x54: {  	_ =	swait.ge [sflag:s23], $0x50  }
0x55: {  	[sflag:s23] =	ssyncset.done $0x0  }
0x56: {  	[sflag:s23] =	ssyncadd.s32 $0xFFFFFFB0  }
0x57: {  	_ =	swait.ge [sflag:s23], $0x50  }
0x58: {  	[sflag:s23] =	ssyncset.done $0x0  }
0x59: {  	[sflag:s23] =	ssyncadd.s32 $0xFFFFFFB0  }
0x5a: {  	[tilespmem:s12], [sflag:$0x1] =	stream.indirect.gather [hbm4b:s1+s24], $0x80, s21, s24, $0xb8;
	[tilespmem:$0x1B280] =	vst v63  }
0x5b: {  	s15 =	rddreg [dreg:$0x9]  }
0x5c: {  	[tilespmem:s25], [sflag:$0x4] =	stream.linear.gather [hbm4b:s15+s12], $0x50, $0x38;
	[tilespmem:$0x1B280] =	vst v63  }
0x5d: {  	s20 =	rddreg [dreg:$0xa]  }
0x5e: {  	[tilespmem:s26], [sflag:$0x4] =	stream.linear.gather [hbm4b:s20+s12], $0x50, $0x38;
	[tilespmem:$0x1B280] =	vst v63  }
0x5f: {  	s20 =	smov.u32 s13  }
.LBB2_4:
0x60: {  	_ =	swait.ge [sflag:s28], $0x50  }
0x61: {  	[sflag:s28] =	ssyncset.done $0x0  }
0x62: {  	[sflag:s28] =	ssyncadd.s32 $0xFFFFFFB0  }
0x63: {  	_ =	swait.ge [sflag:s28], $0x50  }
0x64: {  	[sflag:s28] =	ssyncset.done $0x0  }
0x65: {  	[sflag:s28] =	ssyncadd.s32 $0xFFFFFFB0  }
0x66: {  	[tilespmem:s29], [sflag:$0x2] =	stream.indirect.gather [hbm4b:s1+s24], $0x80, s25, s24, $0xb8;
	[tilespmem:$0x1B280] =	vst v63  }
0x67: {  	v2 =	vld [tilespmem:$0x5100];
	_ =	sdelay $0x7  }
0x68: {  	[tilespmem:v2+s30+$0x0] =	vst.idx.add.f32.msk $0xffff, v1  }
0x69: {  	v2 =	vld [tilespmem:$0x5110];
	_ =	sdelay $0x7  }
0x6a: {  	[tilespmem:v2+s30+$0x0] =	vst.idx.add.f32.msk $0xffff, v1  }
0x6b: {  	v2 =	vld [tilespmem:$0x5120];
	_ =	sdelay $0x7  }
0x6c: {  	[tilespmem:v2+s30+$0x0] =	vst.idx.add.f32.msk $0xffff, v1  }
0x6d: {  	v2 =	vld [tilespmem:$0x5130];
	_ =	sdelay $0x7  }
0x6e: {  	[tilespmem:v2+s30+$0x0] =	vst.idx.add.f32.msk $0xffff, v1  }
0x6f: {  	v2 =	vld [tilespmem:$0x5140];
	_ =	sdelay $0x7  }
0x70: {  	[tilespmem:v2+s30+$0x0] =	vst.idx.add.f32.msk $0xffff, v1  }
0x71: {  	_ =	swait.ge [sflag:s31], $0x2800  }
0x72: {  	[sflag:s31] =	ssyncset.done $0x0  }
0x73: {  	[sflag:s31] =	ssyncadd.s32 $0xFFFFD800  }
0x74: {  	[spmem:s2] =	stream.indirect.scatter.add.f32 [tilespmem:s3], [sflag:$0x5], $0x80, s22, s24, $0xb8;
	[tilespmem:$0x1B280] =	vst v63  }
0x75: {  	_ =	swait.ge [sflag:s0], $0x2800  }
0x76: {  	s14 =	sshrl.u32 s20, $0x3;
	[sflag:s0] =	ssyncset.done $0x0  }
0x77: {  	s15 =	sadd.s32 s5, s14;
	[sflag:s0] =	ssyncadd.s32 $0xFFFFD800  }
0x78: {  	[tilespmem:s21], [sflag:$0x3] =	stream.linear.gather [hbm4b:s15+s3], $0x50, $0x38;
	[tilespmem:$0x1B280] =	vst v63  }
0x79: {  	s14 =	sadd.s32 s6, s14  }
0x7a: {  	[tilespmem:s22], [sflag:$0x3] =	stream.linear.gather [hbm4b:s14+s3], $0x50, $0x38;
	[tilespmem:$0x1B280] =	vst v63  }
0x7b: {  	v2 =	vld [tilespmem:$0x5180];
	_ =	sdelay $0x7  }
0x7c: {  	[tilespmem:v2+s30+$0x0] =	vst.idx.add.f32.msk $0xffff, v1  }
0x7d: {  	v2 =	vld [tilespmem:$0x5190];
	_ =	sdelay $0x7  }
0x7e: {  	[tilespmem:v2+s30+$0x0] =	vst.idx.add.f32.msk $0xffff, v1  }
0x7f: {  	v2 =	vld [tilespmem:$0x51A0];
	_ =	sdelay $0x7  }
0x80: {  	[tilespmem:v2+s30+$0x0] =	vst.idx.add.f32.msk $0xffff, v1  }
0x81: {  	v2 =	vld [tilespmem:$0x51B0];
	_ =	sdelay $0x7  }
0x82: {  	[tilespmem:v2+s30+$0x0] =	vst.idx.add.f32.msk $0xffff, v1  }
0x83: {  	v2 =	vld [tilespmem:$0x51C0];
	_ =	sdelay $0x7  }
0x84: {  	[tilespmem:v2+s30+$0x0] =	vst.idx.add.f32.msk $0xffff, v1  }
0x85: {  	_ =	swait.ge [sflag:s23], $0x50  }
0x86: {  	[sflag:s23] =	ssyncset.done $0x0  }
0x87: {  	[sflag:s23] =	ssyncadd.s32 $0xFFFFFFB0  }
0x88: {  	_ =	swait.ge [sflag:s23], $0x50  }
0x89: {  	[sflag:s23] =	ssyncset.done $0x0  }
0x8a: {  	[sflag:s23] =	ssyncadd.s32 $0xFFFFFFB0  }
0x8b: {  	[tilespmem:s3], [sflag:$0x1] =	stream.indirect.gather [hbm4b:s1+s24], $0x80, s21, s24, $0xb8;
	[tilespmem:$0x1B280] =	vst v63  }
0x8c: {  	_ =	swait.ge [sflag:s4], $0x2800  }
0x8d: {  	p1 =	seq.s32 s12, $0x4C4;
	[sflag:s4] =	ssyncset.done $0x0  }
.Ltmp3:
0x8e: {  	[sflag:s4] =	ssyncadd.s32 $0xFFFFD800;
	(pc) =	sbr.rel @p1 .LBB2_6-.Ltmp3, $4  }
0x8f: {  	[spmem:s2] =	stream.indirect.scatter.add.f32 [tilespmem:s29], [sflag:$0x5], $0x80, s26, s24, $0xb8;
	[tilespmem:$0x1B280] =	vst v63  }
0x90: {  	_ =	swait.ge [sflag:s0], $0x2800  }
0x91: {  	[sflag:s0] =	ssyncset.done $0x0  }
0x92: {  	[sflag:s0] =	ssyncadd.s32 $0xFFFFD800  }
.Ltmp4:
0x93: {  	(pc) =	sbr.rel .LBB2_4-.Ltmp4, $4  }
0x94: {  	s14 =	sadd.s32 s12, s19  }
0x95: {  	[tilespmem:s25], [sflag:$0x4] =	stream.linear.gather [hbm4b:s14+s3], $0x50, $0x38;
	[tilespmem:$0x1B280] =	vst v63  }
0x96: {  	s15 =	sadd.s32 s12, s18;
	s12 =	sadd.s32 $0x14, s12;
	s20 =	sadd.s32 $0xA0, s20  }
0x97: {  	[tilespmem:s26], [sflag:$0x4] =	stream.linear.gather [hbm4b:s15+s3], $0x50, $0x38;
	[tilespmem:$0x1B280] =	vst v63  }
.LBB2_7:
0x98: {  	_ =	sfence.sel $0x180000  }
0x99: {  	[bflag:$0x0] =	sbarrier.arrive $0xFFFF  }
0x9a: {  	_ =	strace $0x90000047  }
0x9b: {  	s0 =	stileid.u32;
	[bflag:$0x2] =	sbarrier.arrive $0xFFFF  }
0x9c: {  	p0 =	sne.s32 s0, $0x0;
	s0 =	rddreg [dreg:$0x4]  }
0x9d: {  	s0 =	sadd.s32 @!p0 $0x100000, s0  }
0x9e: {  	[sflag:s0] =	ssyncadd.tile.s32 @!p0 $0x1;
	_ =	shalt  }
.Lfunc_end2:
_tile_overlayer_lowered:
.L_overlay_start_2:
0x9f: {  	(tag) =	ssettag $0x2  }
0xa0: {  	s0 =	rddreg [dreg:$0x0];
	s2 =	stileid.u32  }
0xa1: {  	s1 =	rddreg [dreg:$0x1];
	p0 =	sne.s32 s2, $0x0  }
0xa2: {  	s3 =	rddreg [dreg:$0x2];
	[bflag:$0x3] =	sbarrier.arrive $0xFFFF;
	s2 =	simm.s32 @!p0 $0x1C05  }
0xa3: {  	[timem:s3], [sflag:s2] =	dma.local @!p0 [hbm:s0], s1  }
0xa4: {  	s0 =	simm.s32 @!p0 $0x5  }
0xa5: {  	_ =	swait.ge @!p0 [sflag:s0], s1  }
0xa6: {  	s1 =	ssub.s32 @!p0 $0x0, s1;
	[sflag:s0] =	ssyncset.done @!p0 $0x0  }
0xa7: {  	[sflag:s0] =	ssyncadd.s32 @!p0 s1  }
0xa8: {  	[bflag:$0x3] =	sbarrier.arrive $0xFFFF  }
0xa9: {  	_ =	shalt  }

</sc_bundles>
